<compile_context>
chip_gen: v7x
topology: tpu7x:2x2x1
jax: 0.10.2.dev20260603
libtpu: 0.0.44.dev20260713+nightly
codegen_flags: <defaults>
</compile_context>

<pallas_src>
import jax
import jax.numpy as jnp
from jax import lax
from jax.experimental import pallas as pl
from jax.experimental.pallas import tpu as pltpu
from jax.experimental.pallas import tpu_sc as plsc

STEP = 1

_B, _H, _HKV, _D, _S = 16, 32, 8, 128, 4096
_HPER = _H // _HKV
_NCPU = _S - 1
_NROW = _B * _H
_NC, _NS, _L = 2, 16, 16
_NW = _NC * _NS
_RPW = _NROW // _NW
_IDXCAP = 512
_GCH = 4


def _sc_body(fw_hbm, vflat_hbm, out_hbm,
             wrow_v, idxf_v, idx2_v, wsel_v, rows_v, stage_v, wsel_sm, sem):
    wid = lax.axis_index("s") * _NC + lax.axis_index("c")
    zero16 = jnp.zeros((_L,), jnp.float32)

    def do_row(i, _):
        row = wid * _RPW + i
        base = (row // _HPER) * _NCPU
        pltpu.sync_copy(fw_hbm.at[row], wrow_v)

        if STEP >= 3:
            for c in range(_IDXCAP // _L):
                idxf_v[pl.ds(c * _L, _L)] = jnp.zeros((_L,), jnp.int32)
                wsel_v[pl.ds(c * _L, _L)] = zero16

            def compact(c, off):
                v = wrow_v[pl.ds(c * _L, _L)]
                colv = lax.iota(jnp.int32, _L) + c * _L
                msk = (v > 0.0) & (colv < _NCPU)
                if STEP >= 4:
                    plsc.store_compressed(idxf_v.at[pl.ds(off, _L)],
                                          colv + base, mask=msk)
                    plsc.store_compressed(wsel_v.at[pl.ds(off, _L)], v,
                                          mask=msk)
                else:
                    idxf_v[pl.ds(off, _L)] = colv + base
                    wsel_v[pl.ds(off, _L)] = v
                return off + jnp.sum(msk.astype(jnp.int32))

            lax.fori_loop(0, _S // _L, compact, jnp.int32(0))
        else:
            for c in range(_IDXCAP // _L):
                colv = lax.iota(jnp.int32, _L) + c * _L
                idxf_v[pl.ds(c * _L, _L)] = colv + base
                wsel_v[pl.ds(c * _L, _L)] = wrow_v[pl.ds(c * _L, _L)]

        for j in range(_GCH):
            for c in range(128 // _L):
                idx2_v[j, pl.ds(c * _L, _L)] = idxf_v[pl.ds(j * 128 + c * _L, _L)]
        if STEP >= 2:
            pltpu.sync_copy(wsel_v, wsel_sm)
        cps = [pltpu.async_copy(vflat_hbm.at[idx2_v.at[j]], rows_v.at[j], sem)
               for j in range(_GCH)]
        for cp in cps:
            cp.wait()

        acc = tuple(zero16 for _ in range(_D // _L))
        for g in range(_GCH):
            def accum(j, a, g=g):
                if STEP >= 2:
                    wj = wsel_sm[g * 128 + j]
                    return tuple(
                        a[u] + wj * rows_v[g, j, pl.ds(u * _L, _L)]
                        for u in range(_D // _L))
                return tuple(
                    a[u] + rows_v[g, j, pl.ds(u * _L, _L)]
                    for u in range(_D // _L))
            acc = lax.fori_loop(0, 128, accum, acc)
        for u in range(_D // _L):
            stage_v[pl.ds(u * _L, _L)] = acc[u]
        pltpu.sync_copy(stage_v, out_hbm.at[row])
        return _

    lax.fori_loop(0, _RPW, do_row, jnp.int32(0))


@jax.jit
def kernel(query, key, value, logmask, key_cpu, value_cpu, weight):
    fw_rows = jnp.zeros((_NROW, _S), jnp.float32) + logmask.reshape(_NROW, _S)
    vflat = value_cpu.reshape(_B * _HKV * _NCPU, _D)
    mesh = plsc.VectorSubcoreMesh(core_axis_name="c", subcore_axis_name="s")
    sc = pl.kernel(
        _sc_body,
        mesh=mesh,
        out_type=jax.ShapeDtypeStruct((_NROW, _D), jnp.float32),
        scratch_types=[
            pltpu.VMEM((_S,), jnp.float32),
            pltpu.VMEM((_IDXCAP,), jnp.int32),
            pltpu.VMEM((_GCH, 128), jnp.int32),
            pltpu.VMEM((_IDXCAP,), jnp.float32),
            pltpu.VMEM((_GCH, 128, _D), jnp.float32),
            pltpu.VMEM((_D,), jnp.float32),
            pltpu.SMEM((_IDXCAP,), jnp.float32),
            pltpu.SemaphoreType.DMA,
        ],
    )
    o = sc(fw_rows, vflat)
    return o.reshape(_B, _H, 1, _D), fw_rows.reshape(_B, _H, 1, _S)

# --- scband reference (transcript-rebuilt; emitter-appended) ---
"""Pipeline reference for scband-ann-attention-70480413327911 (READ-ONLY COPY).

The authoritative reference and input builder live on the scoring server;
editing this copy changes nothing except your own understanding.
"""

import jax, jax.numpy as jnp
import numpy as np

B, H, HKV, D, S = 16, 32, 8, 128, 4096
RANK, K_TOP, LOCAL_K, SINK = 64, 512, 64, 4
MASK_VALUE = 1e9


def scatter_last(shape, idx, vals):
    lead = int(np.prod(shape[:-1]))
    zf = jnp.zeros((lead, shape[-1]), vals.dtype)
    idxf = idx.reshape(lead, -1)
    valf = vals.reshape(lead, -1)
    rows = jnp.arange(lead)[:, None]
    return zf.at[rows, idxf].set(valf).reshape(shape)


def setup_inputs() -> dict:
    key0 = jax.random.key(0)
    ks = jax.random.split(key0, 7)
    query = jax.random.normal(ks[0], (B, H, 1, D), jnp.float32)
    cur_key = jax.random.normal(ks[1], (B, HKV, 1, D), jnp.float32)
    cur_value = jax.random.normal(ks[2], (B, HKV, 1, D), jnp.float32)
    logmask = jnp.zeros((B, H, 1, S), jnp.float32)
    key_cpu = jax.random.normal(ks[3], (B, HKV, S - 1, D), jnp.float32)
    value_cpu = jax.random.normal(ks[4], (B, HKV, S - 1, D), jnp.float32)
    w = jax.random.normal(ks[5], (HKV, D, RANK), jnp.float32)
    w, _ = jnp.linalg.qr(w)  # orthonormal columns per kv head (LowRank init)
    weight = w[:, None, :, :]  # (HKV, 1, D, RANK)
    return {"query": query, "key": cur_key, "value": cur_value,
            "logmask": logmask, "key_cpu": key_cpu, "value_cpu": value_cpu,
            "weight": weight}


def reference(query, key, value, logmask, key_cpu, value_cpu, weight):
    Bq, Hq, _, Dq = query.shape
    Hkv = key.shape[1]
    Hper = Hq // Hkv
    Sq = key_cpu.shape[-2] + 1
    q = query.reshape(Bq, Hkv, Hper, 1, Dq)
    lm = logmask.reshape(Bq, Hkv, Hper, 1, Sq)
    full_key = jnp.concatenate([key_cpu, key], axis=-2)[:, :, None, :, :]     # (B,Hkv,1,S,D)
    full_value = jnp.concatenate([value_cpu, value], axis=-2)[:, :, None, :, :]
    # LowRank approximate score: project Q and K through orthonormal weight
    q_proj = q @ weight            # (B,Hkv,Hper,1,R)
    k_proj = full_key @ weight     # (B,Hkv,1,S,R)
    score = (q_proj @ jnp.swapaxes(k_proj, -1, -2)) * (Dq ** -0.5)  # (B,Hkv,Hper,1,S)
    score = score + lm
    # Force local window and sink tokens to be selected
    pos = jnp.arange(Sq)
    is_forced = (pos >= Sq - LOCAL_K) | (pos < SINK)
    score = jnp.where(is_forced, MASK_VALUE, score)
    # Top-k key selection
    _, indices = jax.lax.top_k(score, K_TOP)   # (B,Hkv,Hper,1,K)
    idx = indices[..., 0, :]                    # (B,Hkv,Hper,K)
    g_key = jnp.take_along_axis(full_key, idx[..., None], axis=-2)    # (B,Hkv,Hper,K,D)
    g_val = jnp.take_along_axis(full_value, idx[..., None], axis=-2)  # (B,Hkv,Hper,K,D)
    g_lm = jnp.take_along_axis(lm, indices, axis=-1)                  # (B,Hkv,Hper,1,K)
    # Reallocate leftover weight to mean value
    probs = jax.nn.softmax(score, axis=-1)
    kv_weight = jnp.take_along_axis(probs, indices, axis=-1).sum(-1)  # (B,Hkv,Hper,1)
    mean_value = full_value.mean(axis=-2, keepdims=True)              # (B,Hkv,1,1,D)
    # Dense attention over selected keys
    scores = (q @ jnp.swapaxes(g_key, -1, -2)) * (Dq ** -0.5) + g_lm  # (B,Hkv,Hper,1,K)
    weights = jax.nn.softmax(scores.astype(jnp.float32), axis=-1)
    weights = weights * kv_weight[..., None]
    out = weights @ g_val                                             # (B,Hkv,Hper,1,D)
    out = out + (1.0 - kv_weight[..., None]) * jnp.broadcast_to(mean_value, out.shape)
    full_w = scatter_last((Bq, Hkv, Hper, 1, Sq), indices, weights)
    return out.reshape(Bq, Hq, 1, Dq), full_w.reshape(Bq, Hq, 1, Sq)

if __name__ == "__main__":
    import jax
    _d = setup_inputs()
    print(jax.jit(kernel)(*tuple(_d.values())))

</pallas_src>

<mosaic_0001>
#map = affine_map<(d0, d1) -> (0, 0)>
module attributes {stable_mosaic.version = 14 : i64} {
  func.func @_sc_body(%arg0: i32, %arg1: i32, %arg2: memref<512x4096xf32, #tpu.memory_space<hbm>>, %arg3: memref<524160x128xf32, #tpu.memory_space<hbm>>, %arg4: memref<512x128xf32, #tpu.memory_space<hbm>>, %arg5: memref<4096xf32, #tpu.memory_space<vmem>>, %arg6: memref<512xi32, #tpu.memory_space<vmem>>, %arg7: memref<4x128xi32, #tpu.memory_space<vmem>>, %arg8: memref<512xf32, #tpu.memory_space<vmem>>, %arg9: memref<4x128x128xf32, #tpu.memory_space<vmem>>, %arg10: memref<128xf32, #tpu.memory_space<vmem>>, %arg11: memref<512xf32, #tpu.memory_space<smem>>, %arg12: memref<!tpu.dma_semaphore, #tpu.memory_space<semaphore_mem>>) attributes {dimension_semantics = [#tpu.dimension_semantics<core_parallel>, #tpu.dimension_semantics<subcore_parallel>], iteration_bounds = array<i64: 2, 16>, scalar_prefetch = 0 : i64, scratch_operands = 8 : i64, tpu.core_type = #tpu.core_type<sc_vector_subcore>, window_params = [{transform_indices = #map}, {transform_indices = #map}, {transform_indices = #map}]} {
    %mul3A = arith.constant 2 : i32
    %mul3A_0 = arith.muli %arg1, %mul3A : i32
    %add3A = arith.addi %mul3A_0, %arg0 : i32
    %broadcast_in_dim3A = arith.constant 0.000000e+00 : f32
    %broadcast_in_dim3A_1 = vector.broadcast %broadcast_in_dim3A : f32 to vector<16xf32>
    %scan3A = arith.constant 0 : i32
    %scan3A_2 = arith.constant 0 : i32
    %scan3A_3 = arith.constant 16 : i32
    %scan3A_4 = arith.addi %scan3A_2, %scan3A_3 : i32
    %scan3A_5 = arith.constant 1 : i32
    scf.for %scan3A_7 = %scan3A_2 to %scan3A_4 step %scan3A_5  : i32 {
      %mul3A_8 = arith.constant 16 : i32
      %mul3A_9 = arith.muli %add3A, %mul3A_8 : i32
      %add3A_10 = arith.addi %mul3A_9, %scan3A_7 : i32
      %jit3A = arith.constant 4 : i32
      %div3A = arith.divsi %add3A_10, %jit3A : i32
      %sign3A = arith.constant 0 : i32
      %sign3A_11 = arith.cmpi sgt, %add3A_10, %sign3A : i32
      %sign3A_12 = arith.extui %sign3A_11 : i1 to i32
      %sign3A_13 = arith.constant 0 : i32
      %sign3A_14 = arith.cmpi slt, %add3A_10, %sign3A_13 : i32
      %sign3A_15 = arith.extui %sign3A_14 : i1 to i32
      %sign3A_16 = arith.subi %sign3A_12, %sign3A_15 : i32
      %sign3A_17 = arith.constant 0 : i32
      %sign3A_18 = arith.cmpi sgt, %jit3A, %sign3A_17 : i32
      %sign3A_19 = arith.extui %sign3A_18 : i1 to i32
      %sign3A_20 = arith.constant 0 : i32
      %sign3A_21 = arith.cmpi slt, %jit3A, %sign3A_20 : i32
      %sign3A_22 = arith.extui %sign3A_21 : i1 to i32
      %sign3A_23 = arith.subi %sign3A_19, %sign3A_22 : i32
      %ne3A = arith.cmpi ne, %sign3A_16, %sign3A_23 : i32
      %rem3A = arith.remsi %add3A_10, %jit3A : i32
      %ne3A_24 = arith.constant 0 : i32
      %ne3A_25 = arith.cmpi ne, %rem3A, %ne3A_24 : i32
      %and3A = arith.andi %ne3A, %ne3A_25 : i1
      %sub3A = arith.constant 1 : i32
      %sub3A_26 = arith.subi %div3A, %sub3A : i32
      %select_n3A = arith.select %and3A, %sub3A_26, %div3A : i32
      %mul3A_27 = arith.constant 4095 : i32
      %mul3A_28 = arith.muli %select_n3A, %mul3A_27 : i32
      "tpu.region"() ({
        %run_scoped3A = tpu.sem_alloc : memref<!tpu.dma_semaphore, #tpu.memory_space<semaphore_mem>>
        %dma_start3A_1008 = arith.constant 0 : i32
        %dma_start3A_1009 = tpu.memref_slice %arg2[%add3A_10, %dma_start3A_1008] : memref<512x4096xf32, #tpu.memory_space<hbm>> -> memref<1x4096xf32, #tpu.memory_space<hbm>>
        %dma_start3A_1010 = tpu.memref_squeeze %dma_start3A_1009 : memref<1x4096xf32, #tpu.memory_space<hbm>> -> memref<4096xf32, #tpu.memory_space<hbm>>
        %dma_start3A_1011 = arith.constant 0 : i32
        %dma_start3A_1012 = tpu.memref_slice %arg2[%add3A_10, %dma_start3A_1011] : memref<512x4096xf32, #tpu.memory_space<hbm>> -> memref<1x4096xf32, #tpu.memory_space<hbm>>
        %dma_start3A_1013 = tpu.memref_squeeze %dma_start3A_1012 : memref<1x4096xf32, #tpu.memory_space<hbm>> -> memref<4096xf32, #tpu.memory_space<hbm>>
        tpu.enqueue_dma source(%dma_start3A_1013 : memref<4096xf32, #tpu.memory_space<hbm>>) target(%arg5 : memref<4096xf32, #tpu.memory_space<vmem>>) target_semaphore(%run_scoped3A : memref<!tpu.dma_semaphore, #tpu.memory_space<semaphore_mem>>)
        %dma_wait3A_1014 = arith.constant 0 : i32
        %dma_wait3A_1015 = tpu.memref_slice %arg2[%add3A_10, %dma_wait3A_1014] : memref<512x4096xf32, #tpu.memory_space<hbm>> -> memref<1x4096xf32, #tpu.memory_space<hbm>>
        %dma_wait3A_1016 = tpu.memref_squeeze %dma_wait3A_1015 : memref<1x4096xf32, #tpu.memory_space<hbm>> -> memref<4096xf32, #tpu.memory_space<hbm>>
        %dma_wait3A_1017 = arith.constant 0 : i32
        %dma_wait3A_1018 = tpu.memref_slice %arg2[%add3A_10, %dma_wait3A_1017] : memref<512x4096xf32, #tpu.memory_space<hbm>> -> memref<1x4096xf32, #tpu.memory_space<hbm>>
        %dma_wait3A_1019 = tpu.memref_squeeze %dma_wait3A_1018 : memref<1x4096xf32, #tpu.memory_space<hbm>> -> memref<4096xf32, #tpu.memory_space<hbm>>
        tpu.wait_dma2 semaphore(%run_scoped3A : memref<!tpu.dma_semaphore, #tpu.memory_space<semaphore_mem>>) src(%dma_wait3A_1019 : memref<4096xf32, #tpu.memory_space<hbm>>) dst(%arg5 : memref<4096xf32, #tpu.memory_space<vmem>>)
        tpu.yield
      }) : () -> ()
      %iota3A = tpu.iota {dimensions = array<i32: 0>} : vector<16xi32>
      %add3A_29 = arith.constant 0 : i32
      %add3A_30 = vector.broadcast %add3A_29 : i32 to vector<16xi32>
      %add3A_31 = arith.addi %iota3A, %add3A_30 : vector<16xi32>
      %add3A_32 = vector.broadcast %mul3A_28 : i32 to vector<16xi32>
      %add3A_33 = arith.addi %add3A_31, %add3A_32 : vector<16xi32>
      %swap3A = arith.constant 0 : index
      %swap3A_34 = tpu.vector_load %arg6[%swap3A] {strides = array<i32>} : memref<512xi32, #tpu.memory_space<vmem>>, vector<16xi32>,
      %swap3A_35 = vector.shape_cast %swap3A_34 : vector<16xi32> to vector<16xi32>
      %swap3A_36 = vector.shape_cast %add3A_33 : vector<16xi32> to vector<16xi32>
      tpu.vector_store %arg6[%swap3A], %swap3A_36 {strides = array<i32>} : memref<512xi32, #tpu.memory_space<vmem>>, vector<16xi32>,
      %get3A = arith.constant 0 : index
      %get3A_37 = tpu.vector_load %arg5[%get3A] {strides = array<i32>} : memref<4096xf32, #tpu.memory_space<vmem>>, vector<16xf32>,
      %get3A_38 = vector.shape_cast %get3A_37 : vector<16xf32> to vector<16xf32>
      %swap3A_39 = arith.constant 0 : index
      %swap3A_40 = tpu.vector_load %arg8[%swap3A_39] {strides = array<i32>} : memref<512xf32, #tpu.memory_space<vmem>>, vector<16xf32>,
      %swap3A_41 = vector.shape_cast %swap3A_40 : vector<16xf32> to vector<16xf32>
      %swap3A_42 = vector.shape_cast %get3A_38 : vector<16xf32> to vector<16xf32>
      tpu.vector_store %arg8[%swap3A_39], %swap3A_42 {strides = array<i32>} : memref<512xf32, #tpu.memory_space<vmem>>, vector<16xf32>,
      %iota3A_43 = tpu.iota {dimensions = array<i32: 0>} : vector<16xi32>
      %add3A_44 = arith.constant 16 : i32
      %add3A_45 = vector.broadcast %add3A_44 : i32 to vector<16xi32>
      %add3A_46 = arith.addi %iota3A_43, %add3A_45 : vector<16xi32>
      %add3A_47 = vector.broadcast %mul3A_28 : i32 to vector<16xi32>
      %add3A_48 = arith.addi %add3A_46, %add3A_47 : vector<16xi32>
      %swap3A_49 = arith.constant 16 : index
      %swap3A_50 = tpu.vector_load %arg6[%swap3A_49] {strides = array<i32>} : memref<512xi32, #tpu.memory_space<vmem>>, vector<16xi32>,
      %swap3A_51 = vector.shape_cast %swap3A_50 : vector<16xi32> to vector<16xi32>
      %swap3A_52 = vector.shape_cast %add3A_48 : vector<16xi32> to vector<16xi32>
      tpu.vector_store %arg6[%swap3A_49], %swap3A_52 {strides = array<i32>} : memref<512xi32, #tpu.memory_space<vmem>>, vector<16xi32>,
      %get3A_53 = arith.constant 16 : index
      %get3A_54 = tpu.vector_load %arg5[%get3A_53] {strides = array<i32>} : memref<4096xf32, #tpu.memory_space<vmem>>, vector<16xf32>,
      %get3A_55 = vector.shape_cast %get3A_54 : vector<16xf32> to vector<16xf32>
      %swap3A_56 = arith.constant 16 : index
      %swap3A_57 = tpu.vector_load %arg8[%swap3A_56] {strides = array<i32>} : memref<512xf32, #tpu.memory_space<vmem>>, vector<16xf32>,
      %swap3A_58 = vector.shape_cast %swap3A_57 : vector<16xf32> to vector<16xf32>
      %swap3A_59 = vector.shape_cast %get3A_55 : vector<16xf32> to vector<16xf32>
      tpu.vector_store %arg8[%swap3A_56], %swap3A_59 {strides = array<i32>} : memref<512xf32, #tpu.memory_space<vmem>>, vector<16xf32>,
      %iota3A_60 = tpu.iota {dimensions = array<i32: 0>} : vector<16xi32>
      %add3A_61 = arith.constant 32 : i32
      %add3A_62 = vector.broadcast %add3A_61 : i32 to vector<16xi32>
      %add3A_63 = arith.addi %iota3A_60, %add3A_62 : vector<16xi32>
      %add3A_64 = vector.broadcast %mul3A_28 : i32 to vector<16xi32>
      %add3A_65 = arith.addi %add3A_63, %add3A_64 : vector<16xi32>
      %swap3A_66 = arith.constant 32 : index
      %swap3A_67 = tpu.vector_load %arg6[%swap3A_66] {strides = array<i32>} : memref<512xi32, #tpu.memory_space<vmem>>, vector<16xi32>,
      %swap3A_68 = vector.shape_cast %swap3A_67 : vector<16xi32> to vector<16xi32>
      %swap3A_69 = vector.shape_cast %add3A_65 : vector<16xi32> to vector<16xi32>
      tpu.vector_store %arg6[%swap3A_66], %swap3A_69 {strides = array<i32>} : memref<512xi32, #tpu.memory_space<vmem>>, vector<16xi32>,
      %get3A_70 = arith.constant 32 : index
      %get3A_71 = tpu.vector_load %arg5[%get3A_70] {strides = array<i32>} : memref<4096xf32, #tpu.memory_space<vmem>>, vector<16xf32>,
      %get3A_72 = vector.shape_cast %get3A_71 : vector<16xf32> to vector<16xf32>
      %swap3A_73 = arith.constant 32 : index
      %swap3A_74 = tpu.vector_load %arg8[%swap3A_73] {strides = array<i32>} : memref<512xf32, #tpu.memory_space<vmem>>, vector<16xf32>,
      %swap3A_75 = vector.shape_cast %swap3A_74 : vector<16xf32> to vector<16xf32>
      %swap3A_76 = vector.shape_cast %get3A_72 : vector<16xf32> to vector<16xf32>
      tpu.vector_store %arg8[%swap3A_73], %swap3A_76 {strides = array<i32>} : memref<512xf32, #tpu.memory_space<vmem>>, vector<16xf32>,
      %iota3A_77 = tpu.iota {dimensions = array<i32: 0>} : vector<16xi32>
      %add3A_78 = arith.constant 48 : i32
      %add3A_79 = vector.broadcast %add3A_78 : i32 to vector<16xi32>
      %add3A_80 = arith.addi %iota3A_77, %add3A_79 : vector<16xi32>
      %add3A_81 = vector.broadcast %mul3A_28 : i32 to vector<16xi32>
      %add3A_82 = arith.addi %add3A_80, %add3A_81 : vector<16xi32>
      %swap3A_83 = arith.constant 48 : index
      %swap3A_84 = tpu.vector_load %arg6[%swap3A_83] {strides = array<i32>} : memref<512xi32, #tpu.memory_space<vmem>>, vector<16xi32>,
      %swap3A_85 = vector.shape_cast %swap3A_84 : vector<16xi32> to vector<16xi32>
      %swap3A_86 = vector.shape_cast %add3A_82 : vector<16xi32> to vector<16xi32>
      tpu.vector_store %arg6[%swap3A_83], %swap3A_86 {strides = array<i32>} : memref<512xi32, #tpu.memory_space<vmem>>, vector<16xi32>,
      %get3A_87 = arith.constant 48 : index
      %get3A_88 = tpu.vector_load %arg5[%get3A_87] {strides = array<i32>} : memref<4096xf32, #tpu.memory_space<vmem>>, vector<16xf32>,
      %get3A_89 = vector.shape_cast %get3A_88 : vector<16xf32> to vector<16xf32>
      %swap3A_90 = arith.constant 48 : index
      %swap3A_91 = tpu.vector_load %arg8[%swap3A_90] {strides = array<i32>} : memref<512xf32, #tpu.memory_space<vmem>>, vector<16xf32>,
      %swap3A_92 = vector.shape_cast %swap3A_91 : vector<16xf32> to vector<16xf32>
      %swap3A_93 = vector.shape_cast %get3A_89 : vector<16xf32> to vector<16xf32>
      tpu.vector_store %arg8[%swap3A_90], %swap3A_93 {strides = array<i32>} : memref<512xf32, #tpu.memory_space<vmem>>, vector<16xf32>,
      %iota3A_94 = tpu.iota {dimensions = array<i32: 0>} : vector<16xi32>
      %add3A_95 = arith.constant 64 : i32
      %add3A_96 = vector.broadcast %add3A_95 : i32 to vector<16xi32>
      %add3A_97 = arith.addi %iota3A_94, %add3A_96 : vector<16xi32>
      %add3A_98 = vector.broadcast %mul3A_28 : i32 to vector<16xi32>
      %add3A_99 = arith.addi %add3A_97, %add3A_98 : vector<16xi32>
      %swap3A_100 = arith.constant 64 : index
      %swap3A_101 = tpu.vector_load %arg6[%swap3A_100] {strides = array<i32>} : memref<512xi32, #tpu.memory_space<vmem>>, vector<16xi32>,
      %swap3A_102 = vector.shape_cast %swap3A_101 : vector<16xi32> to vector<16xi32>
      %swap3A_103 = vector.shape_cast %add3A_99 : vector<16xi32> to vector<16xi32>
      tpu.vector_store %arg6[%swap3A_100], %swap3A_103 {strides = array<i32>} : memref<512xi32, #tpu.memory_space<vmem>>, vector<16xi32>,
      %get3A_104 = arith.constant 64 : index
      %get3A_105 = tpu.vector_load %arg5[%get3A_104] {strides = array<i32>} : memref<4096xf32, #tpu.memory_space<vmem>>, vector<16xf32>,
      %get3A_106 = vector.shape_cast %get3A_105 : vector<16xf32> to vector<16xf32>
      %swap3A_107 = arith.constant 64 : index
      %swap3A_108 = tpu.vector_load %arg8[%swap3A_107] {strides = array<i32>} : memref<512xf32, #tpu.memory_space<vmem>>, vector<16xf32>,
      %swap3A_109 = vector.shape_cast %swap3A_108 : vector<16xf32> to vector<16xf32>
      %swap3A_110 = vector.shape_cast %get3A_106 : vector<16xf32> to vector<16xf32>
      tpu.vector_store %arg8[%swap3A_107], %swap3A_110 {strides = array<i32>} : memref<512xf32, #tpu.memory_space<vmem>>, vector<16xf32>,
      %iota3A_111 = tpu.iota {dimensions = array<i32: 0>} : vector<16xi32>
      %add3A_112 = arith.constant 80 : i32
      %add3A_113 = vector.broadcast %add3A_112 : i32 to vector<16xi32>
      %add3A_114 = arith.addi %iota3A_111, %add3A_113 : vector<16xi32>
      %add3A_115 = vector.broadcast %mul3A_28 : i32 to vector<16xi32>
      %add3A_116 = arith.addi %add3A_114, %add3A_115 : vector<16xi32>
      %swap3A_117 = arith.constant 80 : index
      %swap3A_118 = tpu.vector_load %arg6[%swap3A_117] {strides = array<i32>} : memref<512xi32, #tpu.memory_space<vmem>>, vector<16xi32>,
      %swap3A_119 = vector.shape_cast %swap3A_118 : vector<16xi32> to vector<16xi32>
      %swap3A_120 = vector.shape_cast %add3A_116 : vector<16xi32> to vector<16xi32>
      tpu.vector_store %arg6[%swap3A_117], %swap3A_120 {strides = array<i32>} : memref<512xi32, #tpu.memory_space<vmem>>, vector<16xi32>,
      %get3A_121 = arith.constant 80 : index
      %get3A_122 = tpu.vector_load %arg5[%get3A_121] {strides = array<i32>} : memref<4096xf32, #tpu.memory_space<vmem>>, vector<16xf32>,
      %get3A_123 = vector.shape_cast %get3A_122 : vector<16xf32> to vector<16xf32>
      %swap3A_124 = arith.constant 80 : index
      %swap3A_125 = tpu.vector_load %arg8[%swap3A_124] {strides = array<i32>} : memref<512xf32, #tpu.memory_space<vmem>>, vector<16xf32>,
      %swap3A_126 = vector.shape_cast %swap3A_125 : vector<16xf32> to vector<16xf32>
      %swap3A_127 = vector.shape_cast %get3A_123 : vector<16xf32> to vector<16xf32>
      tpu.vector_store %arg8[%swap3A_124], %swap3A_127 {strides = array<i32>} : memref<512xf32, #tpu.memory_space<vmem>>, vector<16xf32>,
      %iota3A_128 = tpu.iota {dimensions = array<i32: 0>} : vector<16xi32>
      %add3A_129 = arith.constant 96 : i32
      %add3A_130 = vector.broadcast %add3A_129 : i32 to vector<16xi32>
      %add3A_131 = arith.addi %iota3A_128, %add3A_130 : vector<16xi32>
      %add3A_132 = vector.broadcast %mul3A_28 : i32 to vector<16xi32>
      %add3A_133 = arith.addi %add3A_131, %add3A_132 : vector<16xi32>
      %swap3A_134 = arith.constant 96 : index
      %swap3A_135 = tpu.vector_load %arg6[%swap3A_134] {strides = array<i32>} : memref<512xi32, #tpu.memory_space<vmem>>, vector<16xi32>,
      %swap3A_136 = vector.shape_cast %swap3A_135 : vector<16xi32> to vector<16xi32>
      %swap3A_137 = vector.shape_cast %add3A_133 : vector<16xi32> to vector<16xi32>
      tpu.vector_store %arg6[%swap3A_134], %swap3A_137 {strides = array<i32>} : memref<512xi32, #tpu.memory_space<vmem>>, vector<16xi32>,
      %get3A_138 = arith.constant 96 : index
      %get3A_139 = tpu.vector_load %arg5[%get3A_138] {strides = array<i32>} : memref<4096xf32, #tpu.memory_space<vmem>>, vector<16xf32>,
      %get3A_140 = vector.shape_cast %get3A_139 : vector<16xf32> to vector<16xf32>
      %swap3A_141 = arith.constant 96 : index
      %swap3A_142 = tpu.vector_load %arg8[%swap3A_141] {strides = array<i32>} : memref<512xf32, #tpu.memory_space<vmem>>, vector<16xf32>,
      %swap3A_143 = vector.shape_cast %swap3A_142 : vector<16xf32> to vector<16xf32>
      %swap3A_144 = vector.shape_cast %get3A_140 : vector<16xf32> to vector<16xf32>
      tpu.vector_store %arg8[%swap3A_141], %swap3A_144 {strides = array<i32>} : memref<512xf32, #tpu.memory_space<vmem>>, vector<16xf32>,
      %iota3A_145 = tpu.iota {dimensions = array<i32: 0>} : vector<16xi32>
      %add3A_146 = arith.constant 112 : i32
      %add3A_147 = vector.broadcast %add3A_146 : i32 to vector<16xi32>
      %add3A_148 = arith.addi %iota3A_145, %add3A_147 : vector<16xi32>
      %add3A_149 = vector.broadcast %mul3A_28 : i32 to vector<16xi32>
      %add3A_150 = arith.addi %add3A_148, %add3A_149 : vector<16xi32>
      %swap3A_151 = arith.constant 112 : index
      %swap3A_152 = tpu.vector_load %arg6[%swap3A_151] {strides = array<i32>} : memref<512xi32, #tpu.memory_space<vmem>>, vector<16xi32>,
      %swap3A_153 = vector.shape_cast %swap3A_152 : vector<16xi32> to vector<16xi32>
      %swap3A_154 = vector.shape_cast %add3A_150 : vector<16xi32> to vector<16xi32>
      tpu.vector_store %arg6[%swap3A_151], %swap3A_154 {strides = array<i32>} : memref<512xi32, #tpu.memory_space<vmem>>, vector<16xi32>,
      %get3A_155 = arith.constant 112 : index
      %get3A_156 = tpu.vector_load %arg5[%get3A_155] {strides = array<i32>} : memref<4096xf32, #tpu.memory_space<vmem>>, vector<16xf32>,
      %get3A_157 = vector.shape_cast %get3A_156 : vector<16xf32> to vector<16xf32>
      %swap3A_158 = arith.constant 112 : index
      %swap3A_159 = tpu.vector_load %arg8[%swap3A_158] {strides = array<i32>} : memref<512xf32, #tpu.memory_space<vmem>>, vector<16xf32>,
      %swap3A_160 = vector.shape_cast %swap3A_159 : vector<16xf32> to vector<16xf32>
      %swap3A_161 = vector.shape_cast %get3A_157 : vector<16xf32> to vector<16xf32>
      tpu.vector_store %arg8[%swap3A_158], %swap3A_161 {strides = array<i32>} : memref<512xf32, #tpu.memory_space<vmem>>, vector<16xf32>,
      %iota3A_162 = tpu.iota {dimensions = array<i32: 0>} : vector<16xi32>
      %add3A_163 = arith.constant 128 : i32
      %add3A_164 = vector.broadcast %add3A_163 : i32 to vector<16xi32>
      %add3A_165 = arith.addi %iota3A_162, %add3A_164 : vector<16xi32>
      %add3A_166 = vector.broadcast %mul3A_28 : i32 to vector<16xi32>
      %add3A_167 = arith.addi %add3A_165, %add3A_166 : vector<16xi32>
      %swap3A_168 = arith.constant 128 : index
      %swap3A_169 = tpu.vector_load %arg6[%swap3A_168] {strides = array<i32>} : memref<512xi32, #tpu.memory_space<vmem>>, vector<16xi32>,
      %swap3A_170 = vector.shape_cast %swap3A_169 : vector<16xi32> to vector<16xi32>
      %swap3A_171 = vector.shape_cast %add3A_167 : vector<16xi32> to vector<16xi32>
      tpu.vector_store %arg6[%swap3A_168], %swap3A_171 {strides = array<i32>} : memref<512xi32, #tpu.memory_space<vmem>>, vector<16xi32>,
      %get3A_172 = arith.constant 128 : index
      %get3A_173 = tpu.vector_load %arg5[%get3A_172] {strides = array<i32>} : memref<4096xf32, #tpu.memory_space<vmem>>, vector<16xf32>,
      %get3A_174 = vector.shape_cast %get3A_173 : vector<16xf32> to vector<16xf32>
      %swap3A_175 = arith.constant 128 : index
      %swap3A_176 = tpu.vector_load %arg8[%swap3A_175] {strides = array<i32>} : memref<512xf32, #tpu.memory_space<vmem>>, vector<16xf32>,
      %swap3A_177 = vector.shape_cast %swap3A_176 : vector<16xf32> to vector<16xf32>
      %swap3A_178 = vector.shape_cast %get3A_174 : vector<16xf32> to vector<16xf32>
      tpu.vector_store %arg8[%swap3A_175], %swap3A_178 {strides = array<i32>} : memref<512xf32, #tpu.memory_space<vmem>>, vector<16xf32>,
      %iota3A_179 = tpu.iota {dimensions = array<i32: 0>} : vector<16xi32>
      %add3A_180 = arith.constant 144 : i32
      %add3A_181 = vector.broadcast %add3A_180 : i32 to vector<16xi32>
      %add3A_182 = arith.addi %iota3A_179, %add3A_181 : vector<16xi32>
      %add3A_183 = vector.broadcast %mul3A_28 : i32 to vector<16xi32>
      %add3A_184 = arith.addi %add3A_182, %add3A_183 : vector<16xi32>
      %swap3A_185 = arith.constant 144 : index
      %swap3A_186 = tpu.vector_load %arg6[%swap3A_185] {strides = array<i32>} : memref<512xi32, #tpu.memory_space<vmem>>, vector<16xi32>,
      %swap3A_187 = vector.shape_cast %swap3A_186 : vector<16xi32> to vector<16xi32>
      %swap3A_188 = vector.shape_cast %add3A_184 : vector<16xi32> to vector<16xi32>
      tpu.vector_store %arg6[%swap3A_185], %swap3A_188 {strides = array<i32>} : memref<512xi32, #tpu.memory_space<vmem>>, vector<16xi32>,
      %get3A_189 = arith.constant 144 : index
      %get3A_190 = tpu.vector_load %arg5[%get3A_189] {strides = array<i32>} : memref<4096xf32, #tpu.memory_space<vmem>>, vector<16xf32>,
      %get3A_191 = vector.shape_cast %get3A_190 : vector<16xf32> to vector<16xf32>
      %swap3A_192 = arith.constant 144 : index
      %swap3A_193 = tpu.vector_load %arg8[%swap3A_192] {strides = array<i32>} : memref<512xf32, #tpu.memory_space<vmem>>, vector<16xf32>,
      %swap3A_194 = vector.shape_cast %swap3A_193 : vector<16xf32> to vector<16xf32>
      %swap3A_195 = vector.shape_cast %get3A_191 : vector<16xf32> to vector<16xf32>
      tpu.vector_store %arg8[%swap3A_192], %swap3A_195 {strides = array<i32>} : memref<512xf32, #tpu.memory_space<vmem>>, vector<16xf32>,
      %iota3A_196 = tpu.iota {dimensions = array<i32: 0>} : vector<16xi32>
      %add3A_197 = arith.constant 160 : i32
      %add3A_198 = vector.broadcast %add3A_197 : i32 to vector<16xi32>
      %add3A_199 = arith.addi %iota3A_196, %add3A_198 : vector<16xi32>
      %add3A_200 = vector.broadcast %mul3A_28 : i32 to vector<16xi32>
      %add3A_201 = arith.addi %add3A_199, %add3A_200 : vector<16xi32>
      %swap3A_202 = arith.constant 160 : index
      %swap3A_203 = tpu.vector_load %arg6[%swap3A_202] {strides = array<i32>} : memref<512xi32, #tpu.memory_space<vmem>>, vector<16xi32>,
      %swap3A_204 = vector.shape_cast %swap3A_203 : vector<16xi32> to vector<16xi32>
      %swap3A_205 = vector.shape_cast %add3A_201 : vector<16xi32> to vector<16xi32>
      tpu.vector_store %arg6[%swap3A_202], %swap3A_205 {strides = array<i32>} : memref<512xi32, #tpu.memory_space<vmem>>, vector<16xi32>,
      %get3A_206 = arith.constant 160 : index
      %get3A_207 = tpu.vector_load %arg5[%get3A_206] {strides = array<i32>} : memref<4096xf32, #tpu.memory_space<vmem>>, vector<16xf32>,
      %get3A_208 = vector.shape_cast %get3A_207 : vector<16xf32> to vector<16xf32>
      %swap3A_209 = arith.constant 160 : index
      %swap3A_210 = tpu.vector_load %arg8[%swap3A_209] {strides = array<i32>} : memref<512xf32, #tpu.memory_space<vmem>>, vector<16xf32>,
      %swap3A_211 = vector.shape_cast %swap3A_210 : vector<16xf32> to vector<16xf32>
      %swap3A_212 = vector.shape_cast %get3A_208 : vector<16xf32> to vector<16xf32>
      tpu.vector_store %arg8[%swap3A_209], %swap3A_212 {strides = array<i32>} : memref<512xf32, #tpu.memory_space<vmem>>, vector<16xf32>,
      %iota3A_213 = tpu.iota {dimensions = array<i32: 0>} : vector<16xi32>
      %add3A_214 = arith.constant 176 : i32
      %add3A_215 = vector.broadcast %add3A_214 : i32 to vector<16xi32>
      %add3A_216 = arith.addi %iota3A_213, %add3A_215 : vector<16xi32>
      %add3A_217 = vector.broadcast %mul3A_28 : i32 to vector<16xi32>
      %add3A_218 = arith.addi %add3A_216, %add3A_217 : vector<16xi32>
      %swap3A_219 = arith.constant 176 : index
      %swap3A_220 = tpu.vector_load %arg6[%swap3A_219] {strides = array<i32>} : memref<512xi32, #tpu.memory_space<vmem>>, vector<16xi32>,
      %swap3A_221 = vector.shape_cast %swap3A_220 : vector<16xi32> to vector<16xi32>
      %swap3A_222 = vector.shape_cast %add3A_218 : vector<16xi32> to vector<16xi32>
      tpu.vector_store %arg6[%swap3A_219], %swap3A_222 {strides = array<i32>} : memref<512xi32, #tpu.memory_space<vmem>>, vector<16xi32>,
      %get3A_223 = arith.constant 176 : index
      %get3A_224 = tpu.vector_load %arg5[%get3A_223] {strides = array<i32>} : memref<4096xf32, #tpu.memory_space<vmem>>, vector<16xf32>,
      %get3A_225 = vector.shape_cast %get3A_224 : vector<16xf32> to vector<16xf32>
      %swap3A_226 = arith.constant 176 : index
      %swap3A_227 = tpu.vector_load %arg8[%swap3A_226] {strides = array<i32>} : memref<512xf32, #tpu.memory_space<vmem>>, vector<16xf32>,
      %swap3A_228 = vector.shape_cast %swap3A_227 : vector<16xf32> to vector<16xf32>
      %swap3A_229 = vector.shape_cast %get3A_225 : vector<16xf32> to vector<16xf32>
      tpu.vector_store %arg8[%swap3A_226], %swap3A_229 {strides = array<i32>} : memref<512xf32, #tpu.memory_space<vmem>>, vector<16xf32>,
      %iota3A_230 = tpu.iota {dimensions = array<i32: 0>} : vector<16xi32>
      %add3A_231 = arith.constant 192 : i32
      %add3A_232 = vector.broadcast %add3A_231 : i32 to vector<16xi32>
      %add3A_233 = arith.addi %iota3A_230, %add3A_232 : vector<16xi32>
      %add3A_234 = vector.broadcast %mul3A_28 : i32 to vector<16xi32>
      %add3A_235 = arith.addi %add3A_233, %add3A_234 : vector<16xi32>
      %swap3A_236 = arith.constant 192 : index
      %swap3A_237 = tpu.vector_load %arg6[%swap3A_236] {strides = array<i32>} : memref<512xi32, #tpu.memory_space<vmem>>, vector<16xi32>,
      %swap3A_238 = vector.shape_cast %swap3A_237 : vector<16xi32> to vector<16xi32>
      %swap3A_239 = vector.shape_cast %add3A_235 : vector<16xi32> to vector<16xi32>
      tpu.vector_store %arg6[%swap3A_236], %swap3A_239 {strides = array<i32>} : memref<512xi32, #tpu.memory_space<vmem>>, vector<16xi32>,
      %get3A_240 = arith.constant 192 : index
      %get3A_241 = tpu.vector_load %arg5[%get3A_240] {strides = array<i32>} : memref<4096xf32, #tpu.memory_space<vmem>>, vector<16xf32>,
      %get3A_242 = vector.shape_cast %get3A_241 : vector<16xf32> to vector<16xf32>
      %swap3A_243 = arith.constant 192 : index
      %swap3A_244 = tpu.vector_load %arg8[%swap3A_243] {strides = array<i32>} : memref<512xf32, #tpu.memory_space<vmem>>, vector<16xf32>,
      %swap3A_245 = vector.shape_cast %swap3A_244 : vector<16xf32> to vector<16xf32>
      %swap3A_246 = vector.shape_cast %get3A_242 : vector<16xf32> to vector<16xf32>
      tpu.vector_store %arg8[%swap3A_243], %swap3A_246 {strides = array<i32>} : memref<512xf32, #tpu.memory_space<vmem>>, vector<16xf32>,
      %iota3A_247 = tpu.iota {dimensions = array<i32: 0>} : vector<16xi32>
      %add3A_248 = arith.constant 208 : i32
      %add3A_249 = vector.broadcast %add3A_248 : i32 to vector<16xi32>
      %add3A_250 = arith.addi %iota3A_247, %add3A_249 : vector<16xi32>
      %add3A_251 = vector.broadcast %mul3A_28 : i32 to vector<16xi32>
      %add3A_252 = arith.addi %add3A_250, %add3A_251 : vector<16xi32>
      %swap3A_253 = arith.constant 208 : index
      %swap3A_254 = tpu.vector_load %arg6[%swap3A_253] {strides = array<i32>} : memref<512xi32, #tpu.memory_space<vmem>>, vector<16xi32>,
      %swap3A_255 = vector.shape_cast %swap3A_254 : vector<16xi32> to vector<16xi32>
      %swap3A_256 = vector.shape_cast %add3A_252 : vector<16xi32> to vector<16xi32>
      tpu.vector_store %arg6[%swap3A_253], %swap3A_256 {strides = array<i32>} : memref<512xi32, #tpu.memory_space<vmem>>, vector<16xi32>,
      %get3A_257 = arith.constant 208 : index
      %get3A_258 = tpu.vector_load %arg5[%get3A_257] {strides = array<i32>} : memref<4096xf32, #tpu.memory_space<vmem>>, vector<16xf32>,
      %get3A_259 = vector.shape_cast %get3A_258 : vector<16xf32> to vector<16xf32>
      %swap3A_260 = arith.constant 208 : index
      %swap3A_261 = tpu.vector_load %arg8[%swap3A_260] {strides = array<i32>} : memref<512xf32, #tpu.memory_space<vmem>>, vector<16xf32>,
      %swap3A_262 = vector.shape_cast %swap3A_261 : vector<16xf32> to vector<16xf32>
      %swap3A_263 = vector.shape_cast %get3A_259 : vector<16xf32> to vector<16xf32>
      tpu.vector_store %arg8[%swap3A_260], %swap3A_263 {strides = array<i32>} : memref<512xf32, #tpu.memory_space<vmem>>, vector<16xf32>,
      %iota3A_264 = tpu.iota {dimensions = array<i32: 0>} : vector<16xi32>
      %add3A_265 = arith.constant 224 : i32
      %add3A_266 = vector.broadcast %add3A_265 : i32 to vector<16xi32>
      %add3A_267 = arith.addi %iota3A_264, %add3A_266 : vector<16xi32>
      %add3A_268 = vector.broadcast %mul3A_28 : i32 to vector<16xi32>
      %add3A_269 = arith.addi %add3A_267, %add3A_268 : vector<16xi32>
      %swap3A_270 = arith.constant 224 : index
      %swap3A_271 = tpu.vector_load %arg6[%swap3A_270] {strides = array<i32>} : memref<512xi32, #tpu.memory_space<vmem>>, vector<16xi32>,
      %swap3A_272 = vector.shape_cast %swap3A_271 : vector<16xi32> to vector<16xi32>
      %swap3A_273 = vector.shape_cast %add3A_269 : vector<16xi32> to vector<16xi32>
      tpu.vector_store %arg6[%swap3A_270], %swap3A_273 {strides = array<i32>} : memref<512xi32, #tpu.memory_space<vmem>>, vector<16xi32>,
      %get3A_274 = arith.constant 224 : index
      %get3A_275 = tpu.vector_load %arg5[%get3A_274] {strides = array<i32>} : memref<4096xf32, #tpu.memory_space<vmem>>, vector<16xf32>,
      %get3A_276 = vector.shape_cast %get3A_275 : vector<16xf32> to vector<16xf32>
      %swap3A_277 = arith.constant 224 : index
      %swap3A_278 = tpu.vector_load %arg8[%swap3A_277] {strides = array<i32>} : memref<512xf32, #tpu.memory_space<vmem>>, vector<16xf32>,
      %swap3A_279 = vector.shape_cast %swap3A_278 : vector<16xf32> to vector<16xf32>
      %swap3A_280 = vector.shape_cast %get3A_276 : vector<16xf32> to vector<16xf32>
      tpu.vector_store %arg8[%swap3A_277], %swap3A_280 {strides = array<i32>} : memref<512xf32, #tpu.memory_space<vmem>>, vector<16xf32>,
      %iota3A_281 = tpu.iota {dimensions = array<i32: 0>} : vector<16xi32>
      %add3A_282 = arith.constant 240 : i32
      %add3A_283 = vector.broadcast %add3A_282 : i32 to vector<16xi32>
      %add3A_284 = arith.addi %iota3A_281, %add3A_283 : vector<16xi32>
      %add3A_285 = vector.broadcast %mul3A_28 : i32 to vector<16xi32>
      %add3A_286 = arith.addi %add3A_284, %add3A_285 : vector<16xi32>
      %swap3A_287 = arith.constant 240 : index
      %swap3A_288 = tpu.vector_load %arg6[%swap3A_287] {strides = array<i32>} : memref<512xi32, #tpu.memory_space<vmem>>, vector<16xi32>,
      %swap3A_289 = vector.shape_cast %swap3A_288 : vector<16xi32> to vector<16xi32>
      %swap3A_290 = vector.shape_cast %add3A_286 : vector<16xi32> to vector<16xi32>
      tpu.vector_store %arg6[%swap3A_287], %swap3A_290 {strides = array<i32>} : memref<512xi32, #tpu.memory_space<vmem>>, vector<16xi32>,
      %get3A_291 = arith.constant 240 : index
      %get3A_292 = tpu.vector_load %arg5[%get3A_291] {strides = array<i32>} : memref<4096xf32, #tpu.memory_space<vmem>>, vector<16xf32>,
      %get3A_293 = vector.shape_cast %get3A_292 : vector<16xf32> to vector<16xf32>
      %swap3A_294 = arith.constant 240 : index
      %swap3A_295 = tpu.vector_load %arg8[%swap3A_294] {strides = array<i32>} : memref<512xf32, #tpu.memory_space<vmem>>, vector<16xf32>,
      %swap3A_296 = vector.shape_cast %swap3A_295 : vector<16xf32> to vector<16xf32>
      %swap3A_297 = vector.shape_cast %get3A_293 : vector<16xf32> to vector<16xf32>
      tpu.vector_store %arg8[%swap3A_294], %swap3A_297 {strides = array<i32>} : memref<512xf32, #tpu.memory_space<vmem>>, vector<16xf32>,
      %iota3A_298 = tpu.iota {dimensions = array<i32: 0>} : vector<16xi32>
      %add3A_299 = arith.constant 256 : i32
      %add3A_300 = vector.broadcast %add3A_299 : i32 to vector<16xi32>
      %add3A_301 = arith.addi %iota3A_298, %add3A_300 : vector<16xi32>
      %add3A_302 = vector.broadcast %mul3A_28 : i32 to vector<16xi32>
      %add3A_303 = arith.addi %add3A_301, %add3A_302 : vector<16xi32>
      %swap3A_304 = arith.constant 256 : index
      %swap3A_305 = tpu.vector_load %arg6[%swap3A_304] {strides = array<i32>} : memref<512xi32, #tpu.memory_space<vmem>>, vector<16xi32>,
      %swap3A_306 = vector.shape_cast %swap3A_305 : vector<16xi32> to vector<16xi32>
      %swap3A_307 = vector.shape_cast %add3A_303 : vector<16xi32> to vector<16xi32>
      tpu.vector_store %arg6[%swap3A_304], %swap3A_307 {strides = array<i32>} : memref<512xi32, #tpu.memory_space<vmem>>, vector<16xi32>,
      %get3A_308 = arith.constant 256 : index
      %get3A_309 = tpu.vector_load %arg5[%get3A_308] {strides = array<i32>} : memref<4096xf32, #tpu.memory_space<vmem>>, vector<16xf32>,
      %get3A_310 = vector.shape_cast %get3A_309 : vector<16xf32> to vector<16xf32>
      %swap3A_311 = arith.constant 256 : index
      %swap3A_312 = tpu.vector_load %arg8[%swap3A_311] {strides = array<i32>} : memref<512xf32, #tpu.memory_space<vmem>>, vector<16xf32>,
      %swap3A_313 = vector.shape_cast %swap3A_312 : vector<16xf32> to vector<16xf32>
      %swap3A_314 = vector.shape_cast %get3A_310 : vector<16xf32> to vector<16xf32>
      tpu.vector_store %arg8[%swap3A_311], %swap3A_314 {strides = array<i32>} : memref<512xf32, #tpu.memory_space<vmem>>, vector<16xf32>,
      %iota3A_315 = tpu.iota {dimensions = array<i32: 0>} : vector<16xi32>
      %add3A_316 = arith.constant 272 : i32
      %add3A_317 = vector.broadcast %add3A_316 : i32 to vector<16xi32>
      %add3A_318 = arith.addi %iota3A_315, %add3A_317 : vector<16xi32>
      %add3A_319 = vector.broadcast %mul3A_28 : i32 to vector<16xi32>
      %add3A_320 = arith.addi %add3A_318, %add3A_319 : vector<16xi32>
      %swap3A_321 = arith.constant 272 : index
      %swap3A_322 = tpu.vector_load %arg6[%swap3A_321] {strides = array<i32>} : memref<512xi32, #tpu.memory_space<vmem>>, vector<16xi32>,
      %swap3A_323 = vector.shape_cast %swap3A_322 : vector<16xi32> to vector<16xi32>
      %swap3A_324 = vector.shape_cast %add3A_320 : vector<16xi32> to vector<16xi32>
      tpu.vector_store %arg6[%swap3A_321], %swap3A_324 {strides = array<i32>} : memref<512xi32, #tpu.memory_space<vmem>>, vector<16xi32>,
      %get3A_325 = arith.constant 272 : index
      %get3A_326 = tpu.vector_load %arg5[%get3A_325] {strides = array<i32>} : memref<4096xf32, #tpu.memory_space<vmem>>, vector<16xf32>,
      %get3A_327 = vector.shape_cast %get3A_326 : vector<16xf32> to vector<16xf32>
      %swap3A_328 = arith.constant 272 : index
      %swap3A_329 = tpu.vector_load %arg8[%swap3A_328] {strides = array<i32>} : memref<512xf32, #tpu.memory_space<vmem>>, vector<16xf32>,
      %swap3A_330 = vector.shape_cast %swap3A_329 : vector<16xf32> to vector<16xf32>
      %swap3A_331 = vector.shape_cast %get3A_327 : vector<16xf32> to vector<16xf32>
      tpu.vector_store %arg8[%swap3A_328], %swap3A_331 {strides = array<i32>} : memref<512xf32, #tpu.memory_space<vmem>>, vector<16xf32>,
      %iota3A_332 = tpu.iota {dimensions = array<i32: 0>} : vector<16xi32>
      %add3A_333 = arith.constant 288 : i32
      %add3A_334 = vector.broadcast %add3A_333 : i32 to vector<16xi32>
      %add3A_335 = arith.addi %iota3A_332, %add3A_334 : vector<16xi32>
      %add3A_336 = vector.broadcast %mul3A_28 : i32 to vector<16xi32>
      %add3A_337 = arith.addi %add3A_335, %add3A_336 : vector<16xi32>
      %swap3A_338 = arith.constant 288 : index
      %swap3A_339 = tpu.vector_load %arg6[%swap3A_338] {strides = array<i32>} : memref<512xi32, #tpu.memory_space<vmem>>, vector<16xi32>,
      %swap3A_340 = vector.shape_cast %swap3A_339 : vector<16xi32> to vector<16xi32>
      %swap3A_341 = vector.shape_cast %add3A_337 : vector<16xi32> to vector<16xi32>
      tpu.vector_store %arg6[%swap3A_338], %swap3A_341 {strides = array<i32>} : memref<512xi32, #tpu.memory_space<vmem>>, vector<16xi32>,
      %get3A_342 = arith.constant 288 : index
      %get3A_343 = tpu.vector_load %arg5[%get3A_342] {strides = array<i32>} : memref<4096xf32, #tpu.memory_space<vmem>>, vector<16xf32>,
      %get3A_344 = vector.shape_cast %get3A_343 : vector<16xf32> to vector<16xf32>
      %swap3A_345 = arith.constant 288 : index
      %swap3A_346 = tpu.vector_load %arg8[%swap3A_345] {strides = array<i32>} : memref<512xf32, #tpu.memory_space<vmem>>, vector<16xf32>,
      %swap3A_347 = vector.shape_cast %swap3A_346 : vector<16xf32> to vector<16xf32>
      %swap3A_348 = vector.shape_cast %get3A_344 : vector<16xf32> to vector<16xf32>
      tpu.vector_store %arg8[%swap3A_345], %swap3A_348 {strides = array<i32>} : memref<512xf32, #tpu.memory_space<vmem>>, vector<16xf32>,
      %iota3A_349 = tpu.iota {dimensions = array<i32: 0>} : vector<16xi32>
      %add3A_350 = arith.constant 304 : i32
      %add3A_351 = vector.broadcast %add3A_350 : i32 to vector<16xi32>
      %add3A_352 = arith.addi %iota3A_349, %add3A_351 : vector<16xi32>
      %add3A_353 = vector.broadcast %mul3A_28 : i32 to vector<16xi32>
      %add3A_354 = arith.addi %add3A_352, %add3A_353 : vector<16xi32>
      %swap3A_355 = arith.constant 304 : index
      %swap3A_356 = tpu.vector_load %arg6[%swap3A_355] {strides = array<i32>} : memref<512xi32, #tpu.memory_space<vmem>>, vector<16xi32>,
      %swap3A_357 = vector.shape_cast %swap3A_356 : vector<16xi32> to vector<16xi32>
      %swap3A_358 = vector.shape_cast %add3A_354 : vector<16xi32> to vector<16xi32>
      tpu.vector_store %arg6[%swap3A_355], %swap3A_358 {strides = array<i32>} : memref<512xi32, #tpu.memory_space<vmem>>, vector<16xi32>,
      %get3A_359 = arith.constant 304 : index
      %get3A_360 = tpu.vector_load %arg5[%get3A_359] {strides = array<i32>} : memref<4096xf32, #tpu.memory_space<vmem>>, vector<16xf32>,
      %get3A_361 = vector.shape_cast %get3A_360 : vector<16xf32> to vector<16xf32>
      %swap3A_362 = arith.constant 304 : index
      %swap3A_363 = tpu.vector_load %arg8[%swap3A_362] {strides = array<i32>} : memref<512xf32, #tpu.memory_space<vmem>>, vector<16xf32>,
      %swap3A_364 = vector.shape_cast %swap3A_363 : vector<16xf32> to vector<16xf32>
      %swap3A_365 = vector.shape_cast %get3A_361 : vector<16xf32> to vector<16xf32>
      tpu.vector_store %arg8[%swap3A_362], %swap3A_365 {strides = array<i32>} : memref<512xf32, #tpu.memory_space<vmem>>, vector<16xf32>,
      %iota3A_366 = tpu.iota {dimensions = array<i32: 0>} : vector<16xi32>
      %add3A_367 = arith.constant 320 : i32
      %add3A_368 = vector.broadcast %add3A_367 : i32 to vector<16xi32>
      %add3A_369 = arith.addi %iota3A_366, %add3A_368 : vector<16xi32>
      %add3A_370 = vector.broadcast %mul3A_28 : i32 to vector<16xi32>
      %add3A_371 = arith.addi %add3A_369, %add3A_370 : vector<16xi32>
      %swap3A_372 = arith.constant 320 : index
      %swap3A_373 = tpu.vector_load %arg6[%swap3A_372] {strides = array<i32>} : memref<512xi32, #tpu.memory_space<vmem>>, vector<16xi32>,
      %swap3A_374 = vector.shape_cast %swap3A_373 : vector<16xi32> to vector<16xi32>
      %swap3A_375 = vector.shape_cast %add3A_371 : vector<16xi32> to vector<16xi32>
      tpu.vector_store %arg6[%swap3A_372], %swap3A_375 {strides = array<i32>} : memref<512xi32, #tpu.memory_space<vmem>>, vector<16xi32>,
      %get3A_376 = arith.constant 320 : index
      %get3A_377 = tpu.vector_load %arg5[%get3A_376] {strides = array<i32>} : memref<4096xf32, #tpu.memory_space<vmem>>, vector<16xf32>,
      %get3A_378 = vector.shape_cast %get3A_377 : vector<16xf32> to vector<16xf32>
      %swap3A_379 = arith.constant 320 : index
      %swap3A_380 = tpu.vector_load %arg8[%swap3A_379] {strides = array<i32>} : memref<512xf32, #tpu.memory_space<vmem>>, vector<16xf32>,
      %swap3A_381 = vector.shape_cast %swap3A_380 : vector<16xf32> to vector<16xf32>
      %swap3A_382 = vector.shape_cast %get3A_378 : vector<16xf32> to vector<16xf32>
      tpu.vector_store %arg8[%swap3A_379], %swap3A_382 {strides = array<i32>} : memref<512xf32, #tpu.memory_space<vmem>>, vector<16xf32>,
      %iota3A_383 = tpu.iota {dimensions = array<i32: 0>} : vector<16xi32>
      %add3A_384 = arith.constant 336 : i32
      %add3A_385 = vector.broadcast %add3A_384 : i32 to vector<16xi32>
      %add3A_386 = arith.addi %iota3A_383, %add3A_385 : vector<16xi32>
      %add3A_387 = vector.broadcast %mul3A_28 : i32 to vector<16xi32>
      %add3A_388 = arith.addi %add3A_386, %add3A_387 : vector<16xi32>
      %swap3A_389 = arith.constant 336 : index
      %swap3A_390 = tpu.vector_load %arg6[%swap3A_389] {strides = array<i32>} : memref<512xi32, #tpu.memory_space<vmem>>, vector<16xi32>,
      %swap3A_391 = vector.shape_cast %swap3A_390 : vector<16xi32> to vector<16xi32>
      %swap3A_392 = vector.shape_cast %add3A_388 : vector<16xi32> to vector<16xi32>
      tpu.vector_store %arg6[%swap3A_389], %swap3A_392 {strides = array<i32>} : memref<512xi32, #tpu.memory_space<vmem>>, vector<16xi32>,
      %get3A_393 = arith.constant 336 : index
      %get3A_394 = tpu.vector_load %arg5[%get3A_393] {strides = array<i32>} : memref<4096xf32, #tpu.memory_space<vmem>>, vector<16xf32>,
      %get3A_395 = vector.shape_cast %get3A_394 : vector<16xf32> to vector<16xf32>
      %swap3A_396 = arith.constant 336 : index
      %swap3A_397 = tpu.vector_load %arg8[%swap3A_396] {strides = array<i32>} : memref<512xf32, #tpu.memory_space<vmem>>, vector<16xf32>,
      %swap3A_398 = vector.shape_cast %swap3A_397 : vector<16xf32> to vector<16xf32>
      %swap3A_399 = vector.shape_cast %get3A_395 : vector<16xf32> to vector<16xf32>
      tpu.vector_store %arg8[%swap3A_396], %swap3A_399 {strides = array<i32>} : memref<512xf32, #tpu.memory_space<vmem>>, vector<16xf32>,
      %iota3A_400 = tpu.iota {dimensions = array<i32: 0>} : vector<16xi32>
      %add3A_401 = arith.constant 352 : i32
      %add3A_402 = vector.broadcast %add3A_401 : i32 to vector<16xi32>
      %add3A_403 = arith.addi %iota3A_400, %add3A_402 : vector<16xi32>
      %add3A_404 = vector.broadcast %mul3A_28 : i32 to vector<16xi32>
      %add3A_405 = arith.addi %add3A_403, %add3A_404 : vector<16xi32>
      %swap3A_406 = arith.constant 352 : index
      %swap3A_407 = tpu.vector_load %arg6[%swap3A_406] {strides = array<i32>} : memref<512xi32, #tpu.memory_space<vmem>>, vector<16xi32>,
      %swap3A_408 = vector.shape_cast %swap3A_407 : vector<16xi32> to vector<16xi32>
      %swap3A_409 = vector.shape_cast %add3A_405 : vector<16xi32> to vector<16xi32>
      tpu.vector_store %arg6[%swap3A_406], %swap3A_409 {strides = array<i32>} : memref<512xi32, #tpu.memory_space<vmem>>, vector<16xi32>,
      %get3A_410 = arith.constant 352 : index
      %get3A_411 = tpu.vector_load %arg5[%get3A_410] {strides = array<i32>} : memref<4096xf32, #tpu.memory_space<vmem>>, vector<16xf32>,
      %get3A_412 = vector.shape_cast %get3A_411 : vector<16xf32> to vector<16xf32>
      %swap3A_413 = arith.constant 352 : index
      %swap3A_414 = tpu.vector_load %arg8[%swap3A_413] {strides = array<i32>} : memref<512xf32, #tpu.memory_space<vmem>>, vector<16xf32>,
      %swap3A_415 = vector.shape_cast %swap3A_414 : vector<16xf32> to vector<16xf32>
      %swap3A_416 = vector.shape_cast %get3A_412 : vector<16xf32> to vector<16xf32>
      tpu.vector_store %arg8[%swap3A_413], %swap3A_416 {strides = array<i32>} : memref<512xf32, #tpu.memory_space<vmem>>, vector<16xf32>,
      %iota3A_417 = tpu.iota {dimensions = array<i32: 0>} : vector<16xi32>
      %add3A_418 = arith.constant 368 : i32
      %add3A_419 = vector.broadcast %add3A_418 : i32 to vector<16xi32>
      %add3A_420 = arith.addi %iota3A_417, %add3A_419 : vector<16xi32>
      %add3A_421 = vector.broadcast %mul3A_28 : i32 to vector<16xi32>
      %add3A_422 = arith.addi %add3A_420, %add3A_421 : vector<16xi32>
      %swap3A_423 = arith.constant 368 : index
      %swap3A_424 = tpu.vector_load %arg6[%swap3A_423] {strides = array<i32>} : memref<512xi32, #tpu.memory_space<vmem>>, vector<16xi32>,
      %swap3A_425 = vector.shape_cast %swap3A_424 : vector<16xi32> to vector<16xi32>
      %swap3A_426 = vector.shape_cast %add3A_422 : vector<16xi32> to vector<16xi32>
      tpu.vector_store %arg6[%swap3A_423], %swap3A_426 {strides = array<i32>} : memref<512xi32, #tpu.memory_space<vmem>>, vector<16xi32>,
      %get3A_427 = arith.constant 368 : index
      %get3A_428 = tpu.vector_load %arg5[%get3A_427] {strides = array<i32>} : memref<4096xf32, #tpu.memory_space<vmem>>, vector<16xf32>,
      %get3A_429 = vector.shape_cast %get3A_428 : vector<16xf32> to vector<16xf32>
      %swap3A_430 = arith.constant 368 : index
      %swap3A_431 = tpu.vector_load %arg8[%swap3A_430] {strides = array<i32>} : memref<512xf32, #tpu.memory_space<vmem>>, vector<16xf32>,
      %swap3A_432 = vector.shape_cast %swap3A_431 : vector<16xf32> to vector<16xf32>
      %swap3A_433 = vector.shape_cast %get3A_429 : vector<16xf32> to vector<16xf32>
      tpu.vector_store %arg8[%swap3A_430], %swap3A_433 {strides = array<i32>} : memref<512xf32, #tpu.memory_space<vmem>>, vector<16xf32>,
      %iota3A_434 = tpu.iota {dimensions = array<i32: 0>} : vector<16xi32>
      %add3A_435 = arith.constant 384 : i32
      %add3A_436 = vector.broadcast %add3A_435 : i32 to vector<16xi32>
      %add3A_437 = arith.addi %iota3A_434, %add3A_436 : vector<16xi32>
      %add3A_438 = vector.broadcast %mul3A_28 : i32 to vector<16xi32>
      %add3A_439 = arith.addi %add3A_437, %add3A_438 : vector<16xi32>
      %swap3A_440 = arith.constant 384 : index
      %swap3A_441 = tpu.vector_load %arg6[%swap3A_440] {strides = array<i32>} : memref<512xi32, #tpu.memory_space<vmem>>, vector<16xi32>,
      %swap3A_442 = vector.shape_cast %swap3A_441 : vector<16xi32> to vector<16xi32>
      %swap3A_443 = vector.shape_cast %add3A_439 : vector<16xi32> to vector<16xi32>
      tpu.vector_store %arg6[%swap3A_440], %swap3A_443 {strides = array<i32>} : memref<512xi32, #tpu.memory_space<vmem>>, vector<16xi32>,
      %get3A_444 = arith.constant 384 : index
      %get3A_445 = tpu.vector_load %arg5[%get3A_444] {strides = array<i32>} : memref<4096xf32, #tpu.memory_space<vmem>>, vector<16xf32>,
      %get3A_446 = vector.shape_cast %get3A_445 : vector<16xf32> to vector<16xf32>
      %swap3A_447 = arith.constant 384 : index
      %swap3A_448 = tpu.vector_load %arg8[%swap3A_447] {strides = array<i32>} : memref<512xf32, #tpu.memory_space<vmem>>, vector<16xf32>,
      %swap3A_449 = vector.shape_cast %swap3A_448 : vector<16xf32> to vector<16xf32>
      %swap3A_450 = vector.shape_cast %get3A_446 : vector<16xf32> to vector<16xf32>
      tpu.vector_store %arg8[%swap3A_447], %swap3A_450 {strides = array<i32>} : memref<512xf32, #tpu.memory_space<vmem>>, vector<16xf32>,
      %iota3A_451 = tpu.iota {dimensions = array<i32: 0>} : vector<16xi32>
      %add3A_452 = arith.constant 400 : i32
      %add3A_453 = vector.broadcast %add3A_452 : i32 to vector<16xi32>
      %add3A_454 = arith.addi %iota3A_451, %add3A_453 : vector<16xi32>
      %add3A_455 = vector.broadcast %mul3A_28 : i32 to vector<16xi32>
      %add3A_456 = arith.addi %add3A_454, %add3A_455 : vector<16xi32>
      %swap3A_457 = arith.constant 400 : index
      %swap3A_458 = tpu.vector_load %arg6[%swap3A_457] {strides = array<i32>} : memref<512xi32, #tpu.memory_space<vmem>>, vector<16xi32>,
      %swap3A_459 = vector.shape_cast %swap3A_458 : vector<16xi32> to vector<16xi32>
      %swap3A_460 = vector.shape_cast %add3A_456 : vector<16xi32> to vector<16xi32>
      tpu.vector_store %arg6[%swap3A_457], %swap3A_460 {strides = array<i32>} : memref<512xi32, #tpu.memory_space<vmem>>, vector<16xi32>,
      %get3A_461 = arith.constant 400 : index
      %get3A_462 = tpu.vector_load %arg5[%get3A_461] {strides = array<i32>} : memref<4096xf32, #tpu.memory_space<vmem>>, vector<16xf32>,
      %get3A_463 = vector.shape_cast %get3A_462 : vector<16xf32> to vector<16xf32>
      %swap3A_464 = arith.constant 400 : index
      %swap3A_465 = tpu.vector_load %arg8[%swap3A_464] {strides = array<i32>} : memref<512xf32, #tpu.memory_space<vmem>>, vector<16xf32>,
      %swap3A_466 = vector.shape_cast %swap3A_465 : vector<16xf32> to vector<16xf32>
      %swap3A_467 = vector.shape_cast %get3A_463 : vector<16xf32> to vector<16xf32>
      tpu.vector_store %arg8[%swap3A_464], %swap3A_467 {strides = array<i32>} : memref<512xf32, #tpu.memory_space<vmem>>, vector<16xf32>,
      %iota3A_468 = tpu.iota {dimensions = array<i32: 0>} : vector<16xi32>
      %add3A_469 = arith.constant 416 : i32
      %add3A_470 = vector.broadcast %add3A_469 : i32 to vector<16xi32>
      %add3A_471 = arith.addi %iota3A_468, %add3A_470 : vector<16xi32>
      %add3A_472 = vector.broadcast %mul3A_28 : i32 to vector<16xi32>
      %add3A_473 = arith.addi %add3A_471, %add3A_472 : vector<16xi32>
      %swap3A_474 = arith.constant 416 : index
      %swap3A_475 = tpu.vector_load %arg6[%swap3A_474] {strides = array<i32>} : memref<512xi32, #tpu.memory_space<vmem>>, vector<16xi32>,
      %swap3A_476 = vector.shape_cast %swap3A_475 : vector<16xi32> to vector<16xi32>
      %swap3A_477 = vector.shape_cast %add3A_473 : vector<16xi32> to vector<16xi32>
      tpu.vector_store %arg6[%swap3A_474], %swap3A_477 {strides = array<i32>} : memref<512xi32, #tpu.memory_space<vmem>>, vector<16xi32>,
      %get3A_478 = arith.constant 416 : index
      %get3A_479 = tpu.vector_load %arg5[%get3A_478] {strides = array<i32>} : memref<4096xf32, #tpu.memory_space<vmem>>, vector<16xf32>,
      %get3A_480 = vector.shape_cast %get3A_479 : vector<16xf32> to vector<16xf32>
      %swap3A_481 = arith.constant 416 : index
      %swap3A_482 = tpu.vector_load %arg8[%swap3A_481] {strides = array<i32>} : memref<512xf32, #tpu.memory_space<vmem>>, vector<16xf32>,
      %swap3A_483 = vector.shape_cast %swap3A_482 : vector<16xf32> to vector<16xf32>
      %swap3A_484 = vector.shape_cast %get3A_480 : vector<16xf32> to vector<16xf32>
      tpu.vector_store %arg8[%swap3A_481], %swap3A_484 {strides = array<i32>} : memref<512xf32, #tpu.memory_space<vmem>>, vector<16xf32>,
      %iota3A_485 = tpu.iota {dimensions = array<i32: 0>} : vector<16xi32>
      %add3A_486 = arith.constant 432 : i32
      %add3A_487 = vector.broadcast %add3A_486 : i32 to vector<16xi32>
      %add3A_488 = arith.addi %iota3A_485, %add3A_487 : vector<16xi32>
      %add3A_489 = vector.broadcast %mul3A_28 : i32 to vector<16xi32>
      %add3A_490 = arith.addi %add3A_488, %add3A_489 : vector<16xi32>
      %swap3A_491 = arith.constant 432 : index
      %swap3A_492 = tpu.vector_load %arg6[%swap3A_491] {strides = array<i32>} : memref<512xi32, #tpu.memory_space<vmem>>, vector<16xi32>,
      %swap3A_493 = vector.shape_cast %swap3A_492 : vector<16xi32> to vector<16xi32>
      %swap3A_494 = vector.shape_cast %add3A_490 : vector<16xi32> to vector<16xi32>
      tpu.vector_store %arg6[%swap3A_491], %swap3A_494 {strides = array<i32>} : memref<512xi32, #tpu.memory_space<vmem>>, vector<16xi32>,
      %get3A_495 = arith.constant 432 : index
      %get3A_496 = tpu.vector_load %arg5[%get3A_495] {strides = array<i32>} : memref<4096xf32, #tpu.memory_space<vmem>>, vector<16xf32>,
      %get3A_497 = vector.shape_cast %get3A_496 : vector<16xf32> to vector<16xf32>
      %swap3A_498 = arith.constant 432 : index
      %swap3A_499 = tpu.vector_load %arg8[%swap3A_498] {strides = array<i32>} : memref<512xf32, #tpu.memory_space<vmem>>, vector<16xf32>,
      %swap3A_500 = vector.shape_cast %swap3A_499 : vector<16xf32> to vector<16xf32>
      %swap3A_501 = vector.shape_cast %get3A_497 : vector<16xf32> to vector<16xf32>
      tpu.vector_store %arg8[%swap3A_498], %swap3A_501 {strides = array<i32>} : memref<512xf32, #tpu.memory_space<vmem>>, vector<16xf32>,
      %iota3A_502 = tpu.iota {dimensions = array<i32: 0>} : vector<16xi32>
      %add3A_503 = arith.constant 448 : i32
      %add3A_504 = vector.broadcast %add3A_503 : i32 to vector<16xi32>
      %add3A_505 = arith.addi %iota3A_502, %add3A_504 : vector<16xi32>
      %add3A_506 = vector.broadcast %mul3A_28 : i32 to vector<16xi32>
      %add3A_507 = arith.addi %add3A_505, %add3A_506 : vector<16xi32>
      %swap3A_508 = arith.constant 448 : index
      %swap3A_509 = tpu.vector_load %arg6[%swap3A_508] {strides = array<i32>} : memref<512xi32, #tpu.memory_space<vmem>>, vector<16xi32>,
      %swap3A_510 = vector.shape_cast %swap3A_509 : vector<16xi32> to vector<16xi32>
      %swap3A_511 = vector.shape_cast %add3A_507 : vector<16xi32> to vector<16xi32>
      tpu.vector_store %arg6[%swap3A_508], %swap3A_511 {strides = array<i32>} : memref<512xi32, #tpu.memory_space<vmem>>, vector<16xi32>,
      %get3A_512 = arith.constant 448 : index
      %get3A_513 = tpu.vector_load %arg5[%get3A_512] {strides = array<i32>} : memref<4096xf32, #tpu.memory_space<vmem>>, vector<16xf32>,
      %get3A_514 = vector.shape_cast %get3A_513 : vector<16xf32> to vector<16xf32>
      %swap3A_515 = arith.constant 448 : index
      %swap3A_516 = tpu.vector_load %arg8[%swap3A_515] {strides = array<i32>} : memref<512xf32, #tpu.memory_space<vmem>>, vector<16xf32>,
      %swap3A_517 = vector.shape_cast %swap3A_516 : vector<16xf32> to vector<16xf32>
      %swap3A_518 = vector.shape_cast %get3A_514 : vector<16xf32> to vector<16xf32>
      tpu.vector_store %arg8[%swap3A_515], %swap3A_518 {strides = array<i32>} : memref<512xf32, #tpu.memory_space<vmem>>, vector<16xf32>,
      %iota3A_519 = tpu.iota {dimensions = array<i32: 0>} : vector<16xi32>
      %add3A_520 = arith.constant 464 : i32
      %add3A_521 = vector.broadcast %add3A_520 : i32 to vector<16xi32>
      %add3A_522 = arith.addi %iota3A_519, %add3A_521 : vector<16xi32>
      %add3A_523 = vector.broadcast %mul3A_28 : i32 to vector<16xi32>
      %add3A_524 = arith.addi %add3A_522, %add3A_523 : vector<16xi32>
      %swap3A_525 = arith.constant 464 : index
      %swap3A_526 = tpu.vector_load %arg6[%swap3A_525] {strides = array<i32>} : memref<512xi32, #tpu.memory_space<vmem>>, vector<16xi32>,
      %swap3A_527 = vector.shape_cast %swap3A_526 : vector<16xi32> to vector<16xi32>
      %swap3A_528 = vector.shape_cast %add3A_524 : vector<16xi32> to vector<16xi32>
      tpu.vector_store %arg6[%swap3A_525], %swap3A_528 {strides = array<i32>} : memref<512xi32, #tpu.memory_space<vmem>>, vector<16xi32>,
      %get3A_529 = arith.constant 464 : index
      %get3A_530 = tpu.vector_load %arg5[%get3A_529] {strides = array<i32>} : memref<4096xf32, #tpu.memory_space<vmem>>, vector<16xf32>,
      %get3A_531 = vector.shape_cast %get3A_530 : vector<16xf32> to vector<16xf32>
      %swap3A_532 = arith.constant 464 : index
      %swap3A_533 = tpu.vector_load %arg8[%swap3A_532] {strides = array<i32>} : memref<512xf32, #tpu.memory_space<vmem>>, vector<16xf32>,
      %swap3A_534 = vector.shape_cast %swap3A_533 : vector<16xf32> to vector<16xf32>
      %swap3A_535 = vector.shape_cast %get3A_531 : vector<16xf32> to vector<16xf32>
      tpu.vector_store %arg8[%swap3A_532], %swap3A_535 {strides = array<i32>} : memref<512xf32, #tpu.memory_space<vmem>>, vector<16xf32>,
      %iota3A_536 = tpu.iota {dimensions = array<i32: 0>} : vector<16xi32>
      %add3A_537 = arith.constant 480 : i32
      %add3A_538 = vector.broadcast %add3A_537 : i32 to vector<16xi32>
      %add3A_539 = arith.addi %iota3A_536, %add3A_538 : vector<16xi32>
      %add3A_540 = vector.broadcast %mul3A_28 : i32 to vector<16xi32>
      %add3A_541 = arith.addi %add3A_539, %add3A_540 : vector<16xi32>
      %swap3A_542 = arith.constant 480 : index
      %swap3A_543 = tpu.vector_load %arg6[%swap3A_542] {strides = array<i32>} : memref<512xi32, #tpu.memory_space<vmem>>, vector<16xi32>,
      %swap3A_544 = vector.shape_cast %swap3A_543 : vector<16xi32> to vector<16xi32>
      %swap3A_545 = vector.shape_cast %add3A_541 : vector<16xi32> to vector<16xi32>
      tpu.vector_store %arg6[%swap3A_542], %swap3A_545 {strides = array<i32>} : memref<512xi32, #tpu.memory_space<vmem>>, vector<16xi32>,
      %get3A_546 = arith.constant 480 : index
      %get3A_547 = tpu.vector_load %arg5[%get3A_546] {strides = array<i32>} : memref<4096xf32, #tpu.memory_space<vmem>>, vector<16xf32>,
      %get3A_548 = vector.shape_cast %get3A_547 : vector<16xf32> to vector<16xf32>
      %swap3A_549 = arith.constant 480 : index
      %swap3A_550 = tpu.vector_load %arg8[%swap3A_549] {strides = array<i32>} : memref<512xf32, #tpu.memory_space<vmem>>, vector<16xf32>,
      %swap3A_551 = vector.shape_cast %swap3A_550 : vector<16xf32> to vector<16xf32>
      %swap3A_552 = vector.shape_cast %get3A_548 : vector<16xf32> to vector<16xf32>
      tpu.vector_store %arg8[%swap3A_549], %swap3A_552 {strides = array<i32>} : memref<512xf32, #tpu.memory_space<vmem>>, vector<16xf32>,
      %iota3A_553 = tpu.iota {dimensions = array<i32: 0>} : vector<16xi32>
      %add3A_554 = arith.constant 496 : i32
      %add3A_555 = vector.broadcast %add3A_554 : i32 to vector<16xi32>
      %add3A_556 = arith.addi %iota3A_553, %add3A_555 : vector<16xi32>
      %add3A_557 = vector.broadcast %mul3A_28 : i32 to vector<16xi32>
      %add3A_558 = arith.addi %add3A_556, %add3A_557 : vector<16xi32>
      %swap3A_559 = arith.constant 496 : index
      %swap3A_560 = tpu.vector_load %arg6[%swap3A_559] {strides = array<i32>} : memref<512xi32, #tpu.memory_space<vmem>>, vector<16xi32>,
      %swap3A_561 = vector.shape_cast %swap3A_560 : vector<16xi32> to vector<16xi32>
      %swap3A_562 = vector.shape_cast %add3A_558 : vector<16xi32> to vector<16xi32>
      tpu.vector_store %arg6[%swap3A_559], %swap3A_562 {strides = array<i32>} : memref<512xi32, #tpu.memory_space<vmem>>, vector<16xi32>,
      %get3A_563 = arith.constant 496 : index
      %get3A_564 = tpu.vector_load %arg5[%get3A_563] {strides = array<i32>} : memref<4096xf32, #tpu.memory_space<vmem>>, vector<16xf32>,
      %get3A_565 = vector.shape_cast %get3A_564 : vector<16xf32> to vector<16xf32>
      %swap3A_566 = arith.constant 496 : index
      %swap3A_567 = tpu.vector_load %arg8[%swap3A_566] {strides = array<i32>} : memref<512xf32, #tpu.memory_space<vmem>>, vector<16xf32>,
      %swap3A_568 = vector.shape_cast %swap3A_567 : vector<16xf32> to vector<16xf32>
      %swap3A_569 = vector.shape_cast %get3A_565 : vector<16xf32> to vector<16xf32>
      tpu.vector_store %arg8[%swap3A_566], %swap3A_569 {strides = array<i32>} : memref<512xf32, #tpu.memory_space<vmem>>, vector<16xf32>,
      %get3A_570 = arith.constant 0 : index
      %get3A_571 = tpu.vector_load %arg6[%get3A_570] {strides = array<i32>} : memref<512xi32, #tpu.memory_space<vmem>>, vector<16xi32>,
      %get3A_572 = vector.shape_cast %get3A_571 : vector<16xi32> to vector<16xi32>
      %swap3A_573 = arith.constant 0 : i32
      %swap3A_574 = arith.index_cast %swap3A_573 : i32 to index
      %swap3A_575 = arith.constant 0 : index
      %swap3A_576 = tpu.vector_load %arg7[%swap3A_574, %swap3A_575] {strides = array<i32>} : memref<4x128xi32, #tpu.memory_space<vmem>>, vector<1x16xi32>,
      %swap3A_577 = vector.shape_cast %swap3A_576 : vector<1x16xi32> to vector<16xi32>
      %swap3A_578 = vector.shape_cast %get3A_572 : vector<16xi32> to vector<1x16xi32>
      tpu.vector_store %arg7[%swap3A_574, %swap3A_575], %swap3A_578 {strides = array<i32>} : memref<4x128xi32, #tpu.memory_space<vmem>>, vector<1x16xi32>,
      %get3A_579 = arith.constant 16 : index
      %get3A_580 = tpu.vector_load %arg6[%get3A_579] {strides = array<i32>} : memref<512xi32, #tpu.memory_space<vmem>>, vector<16xi32>,
      %get3A_581 = vector.shape_cast %get3A_580 : vector<16xi32> to vector<16xi32>
      %swap3A_582 = arith.constant 0 : i32
      %swap3A_583 = arith.index_cast %swap3A_582 : i32 to index
      %swap3A_584 = arith.constant 16 : index
      %swap3A_585 = tpu.vector_load %arg7[%swap3A_583, %swap3A_584] {strides = array<i32>} : memref<4x128xi32, #tpu.memory_space<vmem>>, vector<1x16xi32>,
      %swap3A_586 = vector.shape_cast %swap3A_585 : vector<1x16xi32> to vector<16xi32>
      %swap3A_587 = vector.shape_cast %get3A_581 : vector<16xi32> to vector<1x16xi32>
      tpu.vector_store %arg7[%swap3A_583, %swap3A_584], %swap3A_587 {strides = array<i32>} : memref<4x128xi32, #tpu.memory_space<vmem>>, vector<1x16xi32>,
      %get3A_588 = arith.constant 32 : index
      %get3A_589 = tpu.vector_load %arg6[%get3A_588] {strides = array<i32>} : memref<512xi32, #tpu.memory_space<vmem>>, vector<16xi32>,
      %get3A_590 = vector.shape_cast %get3A_589 : vector<16xi32> to vector<16xi32>
      %swap3A_591 = arith.constant 0 : i32
      %swap3A_592 = arith.index_cast %swap3A_591 : i32 to index
      %swap3A_593 = arith.constant 32 : index
      %swap3A_594 = tpu.vector_load %arg7[%swap3A_592, %swap3A_593] {strides = array<i32>} : memref<4x128xi32, #tpu.memory_space<vmem>>, vector<1x16xi32>,
      %swap3A_595 = vector.shape_cast %swap3A_594 : vector<1x16xi32> to vector<16xi32>
      %swap3A_596 = vector.shape_cast %get3A_590 : vector<16xi32> to vector<1x16xi32>
      tpu.vector_store %arg7[%swap3A_592, %swap3A_593], %swap3A_596 {strides = array<i32>} : memref<4x128xi32, #tpu.memory_space<vmem>>, vector<1x16xi32>,
      %get3A_597 = arith.constant 48 : index
      %get3A_598 = tpu.vector_load %arg6[%get3A_597] {strides = array<i32>} : memref<512xi32, #tpu.memory_space<vmem>>, vector<16xi32>,
      %get3A_599 = vector.shape_cast %get3A_598 : vector<16xi32> to vector<16xi32>
      %swap3A_600 = arith.constant 0 : i32
      %swap3A_601 = arith.index_cast %swap3A_600 : i32 to index
      %swap3A_602 = arith.constant 48 : index
      %swap3A_603 = tpu.vector_load %arg7[%swap3A_601, %swap3A_602] {strides = array<i32>} : memref<4x128xi32, #tpu.memory_space<vmem>>, vector<1x16xi32>,
      %swap3A_604 = vector.shape_cast %swap3A_603 : vector<1x16xi32> to vector<16xi32>
      %swap3A_605 = vector.shape_cast %get3A_599 : vector<16xi32> to vector<1x16xi32>
      tpu.vector_store %arg7[%swap3A_601, %swap3A_602], %swap3A_605 {strides = array<i32>} : memref<4x128xi32, #tpu.memory_space<vmem>>, vector<1x16xi32>,
      %get3A_606 = arith.constant 64 : index
      %get3A_607 = tpu.vector_load %arg6[%get3A_606] {strides = array<i32>} : memref<512xi32, #tpu.memory_space<vmem>>, vector<16xi32>,
      %get3A_608 = vector.shape_cast %get3A_607 : vector<16xi32> to vector<16xi32>
      %swap3A_609 = arith.constant 0 : i32
      %swap3A_610 = arith.index_cast %swap3A_609 : i32 to index
      %swap3A_611 = arith.constant 64 : index
      %swap3A_612 = tpu.vector_load %arg7[%swap3A_610, %swap3A_611] {strides = array<i32>} : memref<4x128xi32, #tpu.memory_space<vmem>>, vector<1x16xi32>,
      %swap3A_613 = vector.shape_cast %swap3A_612 : vector<1x16xi32> to vector<16xi32>
      %swap3A_614 = vector.shape_cast %get3A_608 : vector<16xi32> to vector<1x16xi32>
      tpu.vector_store %arg7[%swap3A_610, %swap3A_611], %swap3A_614 {strides = array<i32>} : memref<4x128xi32, #tpu.memory_space<vmem>>, vector<1x16xi32>,
      %get3A_615 = arith.constant 80 : index
      %get3A_616 = tpu.vector_load %arg6[%get3A_615] {strides = array<i32>} : memref<512xi32, #tpu.memory_space<vmem>>, vector<16xi32>,
      %get3A_617 = vector.shape_cast %get3A_616 : vector<16xi32> to vector<16xi32>
      %swap3A_618 = arith.constant 0 : i32
      %swap3A_619 = arith.index_cast %swap3A_618 : i32 to index
      %swap3A_620 = arith.constant 80 : index
      %swap3A_621 = tpu.vector_load %arg7[%swap3A_619, %swap3A_620] {strides = array<i32>} : memref<4x128xi32, #tpu.memory_space<vmem>>, vector<1x16xi32>,
      %swap3A_622 = vector.shape_cast %swap3A_621 : vector<1x16xi32> to vector<16xi32>
      %swap3A_623 = vector.shape_cast %get3A_617 : vector<16xi32> to vector<1x16xi32>
      tpu.vector_store %arg7[%swap3A_619, %swap3A_620], %swap3A_623 {strides = array<i32>} : memref<4x128xi32, #tpu.memory_space<vmem>>, vector<1x16xi32>,
      %get3A_624 = arith.constant 96 : index
      %get3A_625 = tpu.vector_load %arg6[%get3A_624] {strides = array<i32>} : memref<512xi32, #tpu.memory_space<vmem>>, vector<16xi32>,
      %get3A_626 = vector.shape_cast %get3A_625 : vector<16xi32> to vector<16xi32>
      %swap3A_627 = arith.constant 0 : i32
      %swap3A_628 = arith.index_cast %swap3A_627 : i32 to index
      %swap3A_629 = arith.constant 96 : index
      %swap3A_630 = tpu.vector_load %arg7[%swap3A_628, %swap3A_629] {strides = array<i32>} : memref<4x128xi32, #tpu.memory_space<vmem>>, vector<1x16xi32>,
      %swap3A_631 = vector.shape_cast %swap3A_630 : vector<1x16xi32> to vector<16xi32>
      %swap3A_632 = vector.shape_cast %get3A_626 : vector<16xi32> to vector<1x16xi32>
      tpu.vector_store %arg7[%swap3A_628, %swap3A_629], %swap3A_632 {strides = array<i32>} : memref<4x128xi32, #tpu.memory_space<vmem>>, vector<1x16xi32>,
      %get3A_633 = arith.constant 112 : index
      %get3A_634 = tpu.vector_load %arg6[%get3A_633] {strides = array<i32>} : memref<512xi32, #tpu.memory_space<vmem>>, vector<16xi32>,
      %get3A_635 = vector.shape_cast %get3A_634 : vector<16xi32> to vector<16xi32>
      %swap3A_636 = arith.constant 0 : i32
      %swap3A_637 = arith.index_cast %swap3A_636 : i32 to index
      %swap3A_638 = arith.constant 112 : index
      %swap3A_639 = tpu.vector_load %arg7[%swap3A_637, %swap3A_638] {strides = array<i32>} : memref<4x128xi32, #tpu.memory_space<vmem>>, vector<1x16xi32>,
      %swap3A_640 = vector.shape_cast %swap3A_639 : vector<1x16xi32> to vector<16xi32>
      %swap3A_641 = vector.shape_cast %get3A_635 : vector<16xi32> to vector<1x16xi32>
      tpu.vector_store %arg7[%swap3A_637, %swap3A_638], %swap3A_641 {strides = array<i32>} : memref<4x128xi32, #tpu.memory_space<vmem>>, vector<1x16xi32>,
      %get3A_642 = arith.constant 128 : index
      %get3A_643 = tpu.vector_load %arg6[%get3A_642] {strides = array<i32>} : memref<512xi32, #tpu.memory_space<vmem>>, vector<16xi32>,
      %get3A_644 = vector.shape_cast %get3A_643 : vector<16xi32> to vector<16xi32>
      %swap3A_645 = arith.constant 1 : i32
      %swap3A_646 = arith.index_cast %swap3A_645 : i32 to index
      %swap3A_647 = arith.constant 0 : index
      %swap3A_648 = tpu.vector_load %arg7[%swap3A_646, %swap3A_647] {strides = array<i32>} : memref<4x128xi32, #tpu.memory_space<vmem>>, vector<1x16xi32>,
      %swap3A_649 = vector.shape_cast %swap3A_648 : vector<1x16xi32> to vector<16xi32>
      %swap3A_650 = vector.shape_cast %get3A_644 : vector<16xi32> to vector<1x16xi32>
      tpu.vector_store %arg7[%swap3A_646, %swap3A_647], %swap3A_650 {strides = array<i32>} : memref<4x128xi32, #tpu.memory_space<vmem>>, vector<1x16xi32>,
      %get3A_651 = arith.constant 144 : index
      %get3A_652 = tpu.vector_load %arg6[%get3A_651] {strides = array<i32>} : memref<512xi32, #tpu.memory_space<vmem>>, vector<16xi32>,
      %get3A_653 = vector.shape_cast %get3A_652 : vector<16xi32> to vector<16xi32>
      %swap3A_654 = arith.constant 1 : i32
      %swap3A_655 = arith.index_cast %swap3A_654 : i32 to index
      %swap3A_656 = arith.constant 16 : index
      %swap3A_657 = tpu.vector_load %arg7[%swap3A_655, %swap3A_656] {strides = array<i32>} : memref<4x128xi32, #tpu.memory_space<vmem>>, vector<1x16xi32>,
      %swap3A_658 = vector.shape_cast %swap3A_657 : vector<1x16xi32> to vector<16xi32>
      %swap3A_659 = vector.shape_cast %get3A_653 : vector<16xi32> to vector<1x16xi32>
      tpu.vector_store %arg7[%swap3A_655, %swap3A_656], %swap3A_659 {strides = array<i32>} : memref<4x128xi32, #tpu.memory_space<vmem>>, vector<1x16xi32>,
      %get3A_660 = arith.constant 160 : index
      %get3A_661 = tpu.vector_load %arg6[%get3A_660] {strides = array<i32>} : memref<512xi32, #tpu.memory_space<vmem>>, vector<16xi32>,
      %get3A_662 = vector.shape_cast %get3A_661 : vector<16xi32> to vector<16xi32>
      %swap3A_663 = arith.constant 1 : i32
      %swap3A_664 = arith.index_cast %swap3A_663 : i32 to index
      %swap3A_665 = arith.constant 32 : index
      %swap3A_666 = tpu.vector_load %arg7[%swap3A_664, %swap3A_665] {strides = array<i32>} : memref<4x128xi32, #tpu.memory_space<vmem>>, vector<1x16xi32>,
      %swap3A_667 = vector.shape_cast %swap3A_666 : vector<1x16xi32> to vector<16xi32>
      %swap3A_668 = vector.shape_cast %get3A_662 : vector<16xi32> to vector<1x16xi32>
      tpu.vector_store %arg7[%swap3A_664, %swap3A_665], %swap3A_668 {strides = array<i32>} : memref<4x128xi32, #tpu.memory_space<vmem>>, vector<1x16xi32>,
      %get3A_669 = arith.constant 176 : index
      %get3A_670 = tpu.vector_load %arg6[%get3A_669] {strides = array<i32>} : memref<512xi32, #tpu.memory_space<vmem>>, vector<16xi32>,
      %get3A_671 = vector.shape_cast %get3A_670 : vector<16xi32> to vector<16xi32>
      %swap3A_672 = arith.constant 1 : i32
      %swap3A_673 = arith.index_cast %swap3A_672 : i32 to index
      %swap3A_674 = arith.constant 48 : index
      %swap3A_675 = tpu.vector_load %arg7[%swap3A_673, %swap3A_674] {strides = array<i32>} : memref<4x128xi32, #tpu.memory_space<vmem>>, vector<1x16xi32>,
      %swap3A_676 = vector.shape_cast %swap3A_675 : vector<1x16xi32> to vector<16xi32>
      %swap3A_677 = vector.shape_cast %get3A_671 : vector<16xi32> to vector<1x16xi32>
      tpu.vector_store %arg7[%swap3A_673, %swap3A_674], %swap3A_677 {strides = array<i32>} : memref<4x128xi32, #tpu.memory_space<vmem>>, vector<1x16xi32>,
      %get3A_678 = arith.constant 192 : index
      %get3A_679 = tpu.vector_load %arg6[%get3A_678] {strides = array<i32>} : memref<512xi32, #tpu.memory_space<vmem>>, vector<16xi32>,
      %get3A_680 = vector.shape_cast %get3A_679 : vector<16xi32> to vector<16xi32>
      %swap3A_681 = arith.constant 1 : i32
      %swap3A_682 = arith.index_cast %swap3A_681 : i32 to index
      %swap3A_683 = arith.constant 64 : index
      %swap3A_684 = tpu.vector_load %arg7[%swap3A_682, %swap3A_683] {strides = array<i32>} : memref<4x128xi32, #tpu.memory_space<vmem>>, vector<1x16xi32>,
      %swap3A_685 = vector.shape_cast %swap3A_684 : vector<1x16xi32> to vector<16xi32>
      %swap3A_686 = vector.shape_cast %get3A_680 : vector<16xi32> to vector<1x16xi32>
      tpu.vector_store %arg7[%swap3A_682, %swap3A_683], %swap3A_686 {strides = array<i32>} : memref<4x128xi32, #tpu.memory_space<vmem>>, vector<1x16xi32>,
      %get3A_687 = arith.constant 208 : index
      %get3A_688 = tpu.vector_load %arg6[%get3A_687] {strides = array<i32>} : memref<512xi32, #tpu.memory_space<vmem>>, vector<16xi32>,
      %get3A_689 = vector.shape_cast %get3A_688 : vector<16xi32> to vector<16xi32>
      %swap3A_690 = arith.constant 1 : i32
      %swap3A_691 = arith.index_cast %swap3A_690 : i32 to index
      %swap3A_692 = arith.constant 80 : index
      %swap3A_693 = tpu.vector_load %arg7[%swap3A_691, %swap3A_692] {strides = array<i32>} : memref<4x128xi32, #tpu.memory_space<vmem>>, vector<1x16xi32>,
      %swap3A_694 = vector.shape_cast %swap3A_693 : vector<1x16xi32> to vector<16xi32>
      %swap3A_695 = vector.shape_cast %get3A_689 : vector<16xi32> to vector<1x16xi32>
      tpu.vector_store %arg7[%swap3A_691, %swap3A_692], %swap3A_695 {strides = array<i32>} : memref<4x128xi32, #tpu.memory_space<vmem>>, vector<1x16xi32>,
      %get3A_696 = arith.constant 224 : index
      %get3A_697 = tpu.vector_load %arg6[%get3A_696] {strides = array<i32>} : memref<512xi32, #tpu.memory_space<vmem>>, vector<16xi32>,
      %get3A_698 = vector.shape_cast %get3A_697 : vector<16xi32> to vector<16xi32>
      %swap3A_699 = arith.constant 1 : i32
      %swap3A_700 = arith.index_cast %swap3A_699 : i32 to index
      %swap3A_701 = arith.constant 96 : index
      %swap3A_702 = tpu.vector_load %arg7[%swap3A_700, %swap3A_701] {strides = array<i32>} : memref<4x128xi32, #tpu.memory_space<vmem>>, vector<1x16xi32>,
      %swap3A_703 = vector.shape_cast %swap3A_702 : vector<1x16xi32> to vector<16xi32>
      %swap3A_704 = vector.shape_cast %get3A_698 : vector<16xi32> to vector<1x16xi32>
      tpu.vector_store %arg7[%swap3A_700, %swap3A_701], %swap3A_704 {strides = array<i32>} : memref<4x128xi32, #tpu.memory_space<vmem>>, vector<1x16xi32>,
      %get3A_705 = arith.constant 240 : index
      %get3A_706 = tpu.vector_load %arg6[%get3A_705] {strides = array<i32>} : memref<512xi32, #tpu.memory_space<vmem>>, vector<16xi32>,
      %get3A_707 = vector.shape_cast %get3A_706 : vector<16xi32> to vector<16xi32>
      %swap3A_708 = arith.constant 1 : i32
      %swap3A_709 = arith.index_cast %swap3A_708 : i32 to index
      %swap3A_710 = arith.constant 112 : index
      %swap3A_711 = tpu.vector_load %arg7[%swap3A_709, %swap3A_710] {strides = array<i32>} : memref<4x128xi32, #tpu.memory_space<vmem>>, vector<1x16xi32>,
      %swap3A_712 = vector.shape_cast %swap3A_711 : vector<1x16xi32> to vector<16xi32>
      %swap3A_713 = vector.shape_cast %get3A_707 : vector<16xi32> to vector<1x16xi32>
      tpu.vector_store %arg7[%swap3A_709, %swap3A_710], %swap3A_713 {strides = array<i32>} : memref<4x128xi32, #tpu.memory_space<vmem>>, vector<1x16xi32>,
      %get3A_714 = arith.constant 256 : index
      %get3A_715 = tpu.vector_load %arg6[%get3A_714] {strides = array<i32>} : memref<512xi32, #tpu.memory_space<vmem>>, vector<16xi32>,
      %get3A_716 = vector.shape_cast %get3A_715 : vector<16xi32> to vector<16xi32>
      %swap3A_717 = arith.constant 2 : i32
      %swap3A_718 = arith.index_cast %swap3A_717 : i32 to index
      %swap3A_719 = arith.constant 0 : index
      %swap3A_720 = tpu.vector_load %arg7[%swap3A_718, %swap3A_719] {strides = array<i32>} : memref<4x128xi32, #tpu.memory_space<vmem>>, vector<1x16xi32>,
      %swap3A_721 = vector.shape_cast %swap3A_720 : vector<1x16xi32> to vector<16xi32>
      %swap3A_722 = vector.shape_cast %get3A_716 : vector<16xi32> to vector<1x16xi32>
      tpu.vector_store %arg7[%swap3A_718, %swap3A_719], %swap3A_722 {strides = array<i32>} : memref<4x128xi32, #tpu.memory_space<vmem>>, vector<1x16xi32>,
      %get3A_723 = arith.constant 272 : index
      %get3A_724 = tpu.vector_load %arg6[%get3A_723] {strides = array<i32>} : memref<512xi32, #tpu.memory_space<vmem>>, vector<16xi32>,
      %get3A_725 = vector.shape_cast %get3A_724 : vector<16xi32> to vector<16xi32>
      %swap3A_726 = arith.constant 2 : i32
      %swap3A_727 = arith.index_cast %swap3A_726 : i32 to index
      %swap3A_728 = arith.constant 16 : index
      %swap3A_729 = tpu.vector_load %arg7[%swap3A_727, %swap3A_728] {strides = array<i32>} : memref<4x128xi32, #tpu.memory_space<vmem>>, vector<1x16xi32>,
      %swap3A_730 = vector.shape_cast %swap3A_729 : vector<1x16xi32> to vector<16xi32>
      %swap3A_731 = vector.shape_cast %get3A_725 : vector<16xi32> to vector<1x16xi32>
      tpu.vector_store %arg7[%swap3A_727, %swap3A_728], %swap3A_731 {strides = array<i32>} : memref<4x128xi32, #tpu.memory_space<vmem>>, vector<1x16xi32>,
      %get3A_732 = arith.constant 288 : index
      %get3A_733 = tpu.vector_load %arg6[%get3A_732] {strides = array<i32>} : memref<512xi32, #tpu.memory_space<vmem>>, vector<16xi32>,
      %get3A_734 = vector.shape_cast %get3A_733 : vector<16xi32> to vector<16xi32>
      %swap3A_735 = arith.constant 2 : i32
      %swap3A_736 = arith.index_cast %swap3A_735 : i32 to index
      %swap3A_737 = arith.constant 32 : index
      %swap3A_738 = tpu.vector_load %arg7[%swap3A_736, %swap3A_737] {strides = array<i32>} : memref<4x128xi32, #tpu.memory_space<vmem>>, vector<1x16xi32>,
      %swap3A_739 = vector.shape_cast %swap3A_738 : vector<1x16xi32> to vector<16xi32>
      %swap3A_740 = vector.shape_cast %get3A_734 : vector<16xi32> to vector<1x16xi32>
      tpu.vector_store %arg7[%swap3A_736, %swap3A_737], %swap3A_740 {strides = array<i32>} : memref<4x128xi32, #tpu.memory_space<vmem>>, vector<1x16xi32>,
      %get3A_741 = arith.constant 304 : index
      %get3A_742 = tpu.vector_load %arg6[%get3A_741] {strides = array<i32>} : memref<512xi32, #tpu.memory_space<vmem>>, vector<16xi32>,
      %get3A_743 = vector.shape_cast %get3A_742 : vector<16xi32> to vector<16xi32>
      %swap3A_744 = arith.constant 2 : i32
      %swap3A_745 = arith.index_cast %swap3A_744 : i32 to index
      %swap3A_746 = arith.constant 48 : index
      %swap3A_747 = tpu.vector_load %arg7[%swap3A_745, %swap3A_746] {strides = array<i32>} : memref<4x128xi32, #tpu.memory_space<vmem>>, vector<1x16xi32>,
      %swap3A_748 = vector.shape_cast %swap3A_747 : vector<1x16xi32> to vector<16xi32>
      %swap3A_749 = vector.shape_cast %get3A_743 : vector<16xi32> to vector<1x16xi32>
      tpu.vector_store %arg7[%swap3A_745, %swap3A_746], %swap3A_749 {strides = array<i32>} : memref<4x128xi32, #tpu.memory_space<vmem>>, vector<1x16xi32>,
      %get3A_750 = arith.constant 320 : index
      %get3A_751 = tpu.vector_load %arg6[%get3A_750] {strides = array<i32>} : memref<512xi32, #tpu.memory_space<vmem>>, vector<16xi32>,
      %get3A_752 = vector.shape_cast %get3A_751 : vector<16xi32> to vector<16xi32>
      %swap3A_753 = arith.constant 2 : i32
      %swap3A_754 = arith.index_cast %swap3A_753 : i32 to index
      %swap3A_755 = arith.constant 64 : index
      %swap3A_756 = tpu.vector_load %arg7[%swap3A_754, %swap3A_755] {strides = array<i32>} : memref<4x128xi32, #tpu.memory_space<vmem>>, vector<1x16xi32>,
      %swap3A_757 = vector.shape_cast %swap3A_756 : vector<1x16xi32> to vector<16xi32>
      %swap3A_758 = vector.shape_cast %get3A_752 : vector<16xi32> to vector<1x16xi32>
      tpu.vector_store %arg7[%swap3A_754, %swap3A_755], %swap3A_758 {strides = array<i32>} : memref<4x128xi32, #tpu.memory_space<vmem>>, vector<1x16xi32>,
      %get3A_759 = arith.constant 336 : index
      %get3A_760 = tpu.vector_load %arg6[%get3A_759] {strides = array<i32>} : memref<512xi32, #tpu.memory_space<vmem>>, vector<16xi32>,
      %get3A_761 = vector.shape_cast %get3A_760 : vector<16xi32> to vector<16xi32>
      %swap3A_762 = arith.constant 2 : i32
      %swap3A_763 = arith.index_cast %swap3A_762 : i32 to index
      %swap3A_764 = arith.constant 80 : index
      %swap3A_765 = tpu.vector_load %arg7[%swap3A_763, %swap3A_764] {strides = array<i32>} : memref<4x128xi32, #tpu.memory_space<vmem>>, vector<1x16xi32>,
      %swap3A_766 = vector.shape_cast %swap3A_765 : vector<1x16xi32> to vector<16xi32>
      %swap3A_767 = vector.shape_cast %get3A_761 : vector<16xi32> to vector<1x16xi32>
      tpu.vector_store %arg7[%swap3A_763, %swap3A_764], %swap3A_767 {strides = array<i32>} : memref<4x128xi32, #tpu.memory_space<vmem>>, vector<1x16xi32>,
      %get3A_768 = arith.constant 352 : index
      %get3A_769 = tpu.vector_load %arg6[%get3A_768] {strides = array<i32>} : memref<512xi32, #tpu.memory_space<vmem>>, vector<16xi32>,
      %get3A_770 = vector.shape_cast %get3A_769 : vector<16xi32> to vector<16xi32>
      %swap3A_771 = arith.constant 2 : i32
      %swap3A_772 = arith.index_cast %swap3A_771 : i32 to index
      %swap3A_773 = arith.constant 96 : index
      %swap3A_774 = tpu.vector_load %arg7[%swap3A_772, %swap3A_773] {strides = array<i32>} : memref<4x128xi32, #tpu.memory_space<vmem>>, vector<1x16xi32>,
      %swap3A_775 = vector.shape_cast %swap3A_774 : vector<1x16xi32> to vector<16xi32>
      %swap3A_776 = vector.shape_cast %get3A_770 : vector<16xi32> to vector<1x16xi32>
      tpu.vector_store %arg7[%swap3A_772, %swap3A_773], %swap3A_776 {strides = array<i32>} : memref<4x128xi32, #tpu.memory_space<vmem>>, vector<1x16xi32>,
      %get3A_777 = arith.constant 368 : index
      %get3A_778 = tpu.vector_load %arg6[%get3A_777] {strides = array<i32>} : memref<512xi32, #tpu.memory_space<vmem>>, vector<16xi32>,
      %get3A_779 = vector.shape_cast %get3A_778 : vector<16xi32> to vector<16xi32>
      %swap3A_780 = arith.constant 2 : i32
      %swap3A_781 = arith.index_cast %swap3A_780 : i32 to index
      %swap3A_782 = arith.constant 112 : index
      %swap3A_783 = tpu.vector_load %arg7[%swap3A_781, %swap3A_782] {strides = array<i32>} : memref<4x128xi32, #tpu.memory_space<vmem>>, vector<1x16xi32>,
      %swap3A_784 = vector.shape_cast %swap3A_783 : vector<1x16xi32> to vector<16xi32>
      %swap3A_785 = vector.shape_cast %get3A_779 : vector<16xi32> to vector<1x16xi32>
      tpu.vector_store %arg7[%swap3A_781, %swap3A_782], %swap3A_785 {strides = array<i32>} : memref<4x128xi32, #tpu.memory_space<vmem>>, vector<1x16xi32>,
      %get3A_786 = arith.constant 384 : index
      %get3A_787 = tpu.vector_load %arg6[%get3A_786] {strides = array<i32>} : memref<512xi32, #tpu.memory_space<vmem>>, vector<16xi32>,
      %get3A_788 = vector.shape_cast %get3A_787 : vector<16xi32> to vector<16xi32>
      %swap3A_789 = arith.constant 3 : i32
      %swap3A_790 = arith.index_cast %swap3A_789 : i32 to index
      %swap3A_791 = arith.constant 0 : index
      %swap3A_792 = tpu.vector_load %arg7[%swap3A_790, %swap3A_791] {strides = array<i32>} : memref<4x128xi32, #tpu.memory_space<vmem>>, vector<1x16xi32>,
      %swap3A_793 = vector.shape_cast %swap3A_792 : vector<1x16xi32> to vector<16xi32>
      %swap3A_794 = vector.shape_cast %get3A_788 : vector<16xi32> to vector<1x16xi32>
      tpu.vector_store %arg7[%swap3A_790, %swap3A_791], %swap3A_794 {strides = array<i32>} : memref<4x128xi32, #tpu.memory_space<vmem>>, vector<1x16xi32>,
      %get3A_795 = arith.constant 400 : index
      %get3A_796 = tpu.vector_load %arg6[%get3A_795] {strides = array<i32>} : memref<512xi32, #tpu.memory_space<vmem>>, vector<16xi32>,
      %get3A_797 = vector.shape_cast %get3A_796 : vector<16xi32> to vector<16xi32>
      %swap3A_798 = arith.constant 3 : i32
      %swap3A_799 = arith.index_cast %swap3A_798 : i32 to index
      %swap3A_800 = arith.constant 16 : index
      %swap3A_801 = tpu.vector_load %arg7[%swap3A_799, %swap3A_800] {strides = array<i32>} : memref<4x128xi32, #tpu.memory_space<vmem>>, vector<1x16xi32>,
      %swap3A_802 = vector.shape_cast %swap3A_801 : vector<1x16xi32> to vector<16xi32>
      %swap3A_803 = vector.shape_cast %get3A_797 : vector<16xi32> to vector<1x16xi32>
      tpu.vector_store %arg7[%swap3A_799, %swap3A_800], %swap3A_803 {strides = array<i32>} : memref<4x128xi32, #tpu.memory_space<vmem>>, vector<1x16xi32>,
      %get3A_804 = arith.constant 416 : index
      %get3A_805 = tpu.vector_load %arg6[%get3A_804] {strides = array<i32>} : memref<512xi32, #tpu.memory_space<vmem>>, vector<16xi32>,
      %get3A_806 = vector.shape_cast %get3A_805 : vector<16xi32> to vector<16xi32>
      %swap3A_807 = arith.constant 3 : i32
      %swap3A_808 = arith.index_cast %swap3A_807 : i32 to index
      %swap3A_809 = arith.constant 32 : index
      %swap3A_810 = tpu.vector_load %arg7[%swap3A_808, %swap3A_809] {strides = array<i32>} : memref<4x128xi32, #tpu.memory_space<vmem>>, vector<1x16xi32>,
      %swap3A_811 = vector.shape_cast %swap3A_810 : vector<1x16xi32> to vector<16xi32>
      %swap3A_812 = vector.shape_cast %get3A_806 : vector<16xi32> to vector<1x16xi32>
      tpu.vector_store %arg7[%swap3A_808, %swap3A_809], %swap3A_812 {strides = array<i32>} : memref<4x128xi32, #tpu.memory_space<vmem>>, vector<1x16xi32>,
      %get3A_813 = arith.constant 432 : index
      %get3A_814 = tpu.vector_load %arg6[%get3A_813] {strides = array<i32>} : memref<512xi32, #tpu.memory_space<vmem>>, vector<16xi32>,
      %get3A_815 = vector.shape_cast %get3A_814 : vector<16xi32> to vector<16xi32>
      %swap3A_816 = arith.constant 3 : i32
      %swap3A_817 = arith.index_cast %swap3A_816 : i32 to index
      %swap3A_818 = arith.constant 48 : index
      %swap3A_819 = tpu.vector_load %arg7[%swap3A_817, %swap3A_818] {strides = array<i32>} : memref<4x128xi32, #tpu.memory_space<vmem>>, vector<1x16xi32>,
      %swap3A_820 = vector.shape_cast %swap3A_819 : vector<1x16xi32> to vector<16xi32>
      %swap3A_821 = vector.shape_cast %get3A_815 : vector<16xi32> to vector<1x16xi32>
      tpu.vector_store %arg7[%swap3A_817, %swap3A_818], %swap3A_821 {strides = array<i32>} : memref<4x128xi32, #tpu.memory_space<vmem>>, vector<1x16xi32>,
      %get3A_822 = arith.constant 448 : index
      %get3A_823 = tpu.vector_load %arg6[%get3A_822] {strides = array<i32>} : memref<512xi32, #tpu.memory_space<vmem>>, vector<16xi32>,
      %get3A_824 = vector.shape_cast %get3A_823 : vector<16xi32> to vector<16xi32>
      %swap3A_825 = arith.constant 3 : i32
      %swap3A_826 = arith.index_cast %swap3A_825 : i32 to index
      %swap3A_827 = arith.constant 64 : index
      %swap3A_828 = tpu.vector_load %arg7[%swap3A_826, %swap3A_827] {strides = array<i32>} : memref<4x128xi32, #tpu.memory_space<vmem>>, vector<1x16xi32>,
      %swap3A_829 = vector.shape_cast %swap3A_828 : vector<1x16xi32> to vector<16xi32>
      %swap3A_830 = vector.shape_cast %get3A_824 : vector<16xi32> to vector<1x16xi32>
      tpu.vector_store %arg7[%swap3A_826, %swap3A_827], %swap3A_830 {strides = array<i32>} : memref<4x128xi32, #tpu.memory_space<vmem>>, vector<1x16xi32>,
      %get3A_831 = arith.constant 464 : index
      %get3A_832 = tpu.vector_load %arg6[%get3A_831] {strides = array<i32>} : memref<512xi32, #tpu.memory_space<vmem>>, vector<16xi32>,
      %get3A_833 = vector.shape_cast %get3A_832 : vector<16xi32> to vector<16xi32>
      %swap3A_834 = arith.constant 3 : i32
      %swap3A_835 = arith.index_cast %swap3A_834 : i32 to index
      %swap3A_836 = arith.constant 80 : index
      %swap3A_837 = tpu.vector_load %arg7[%swap3A_835, %swap3A_836] {strides = array<i32>} : memref<4x128xi32, #tpu.memory_space<vmem>>, vector<1x16xi32>,
      %swap3A_838 = vector.shape_cast %swap3A_837 : vector<1x16xi32> to vector<16xi32>
      %swap3A_839 = vector.shape_cast %get3A_833 : vector<16xi32> to vector<1x16xi32>
      tpu.vector_store %arg7[%swap3A_835, %swap3A_836], %swap3A_839 {strides = array<i32>} : memref<4x128xi32, #tpu.memory_space<vmem>>, vector<1x16xi32>,
      %get3A_840 = arith.constant 480 : index
      %get3A_841 = tpu.vector_load %arg6[%get3A_840] {strides = array<i32>} : memref<512xi32, #tpu.memory_space<vmem>>, vector<16xi32>,
      %get3A_842 = vector.shape_cast %get3A_841 : vector<16xi32> to vector<16xi32>
      %swap3A_843 = arith.constant 3 : i32
      %swap3A_844 = arith.index_cast %swap3A_843 : i32 to index
      %swap3A_845 = arith.constant 96 : index
      %swap3A_846 = tpu.vector_load %arg7[%swap3A_844, %swap3A_845] {strides = array<i32>} : memref<4x128xi32, #tpu.memory_space<vmem>>, vector<1x16xi32>,
      %swap3A_847 = vector.shape_cast %swap3A_846 : vector<1x16xi32> to vector<16xi32>
      %swap3A_848 = vector.shape_cast %get3A_842 : vector<16xi32> to vector<1x16xi32>
      tpu.vector_store %arg7[%swap3A_844, %swap3A_845], %swap3A_848 {strides = array<i32>} : memref<4x128xi32, #tpu.memory_space<vmem>>, vector<1x16xi32>,
      %get3A_849 = arith.constant 496 : index
      %get3A_850 = tpu.vector_load %arg6[%get3A_849] {strides = array<i32>} : memref<512xi32, #tpu.memory_space<vmem>>, vector<16xi32>,
      %get3A_851 = vector.shape_cast %get3A_850 : vector<16xi32> to vector<16xi32>
      %swap3A_852 = arith.constant 3 : i32
      %swap3A_853 = arith.index_cast %swap3A_852 : i32 to index
      %swap3A_854 = arith.constant 112 : index
      %swap3A_855 = tpu.vector_load %arg7[%swap3A_853, %swap3A_854] {strides = array<i32>} : memref<4x128xi32, #tpu.memory_space<vmem>>, vector<1x16xi32>,
      %swap3A_856 = vector.shape_cast %swap3A_855 : vector<1x16xi32> to vector<16xi32>
      %swap3A_857 = vector.shape_cast %get3A_851 : vector<16xi32> to vector<1x16xi32>
      tpu.vector_store %arg7[%swap3A_853, %swap3A_854], %swap3A_857 {strides = array<i32>} : memref<4x128xi32, #tpu.memory_space<vmem>>, vector<1x16xi32>,
      %dma_start3A = arith.constant 0 : i32
      %dma_start3A_858 = arith.constant 0 : i32
      %dma_start3A_859 = arith.constant 0 : i32
      %dma_start3A_860 = arith.constant 0 : i32
      %dma_start3A_861 = tpu.memref_slice %arg9[%dma_start3A_858, %dma_start3A_859, %dma_start3A_860] : memref<4x128x128xf32, #tpu.memory_space<vmem>> -> memref<1x128x128xf32, #tpu.memory_space<vmem>>
      %dma_start3A_862 = tpu.memref_squeeze %dma_start3A_861 : memref<1x128x128xf32, #tpu.memory_space<vmem>> -> memref<128x128xf32, #tpu.memory_space<vmem>>
      %dma_start3A_863 = arith.constant 0 : i32
      %dma_start3A_864 = tpu.memref_slice %arg7[%dma_start3A, %dma_start3A_863] : memref<4x128xi32, #tpu.memory_space<vmem>> -> memref<1x128xi32, #tpu.memory_space<vmem>>
      %dma_start3A_865 = tpu.memref_squeeze %dma_start3A_864 : memref<1x128xi32, #tpu.memory_space<vmem>> -> memref<128xi32, #tpu.memory_space<vmem>>
      %dma_start3A_866 = arith.constant 0 : i32
      %dma_start3A_867 = arith.constant 0 : i32
      %dma_start3A_868 = tpu.memref_slice %arg3[%dma_start3A_866, %dma_start3A_867] : memref<524160x128xf32, #tpu.memory_space<hbm>> -> memref<524160x128xf32, #tpu.memory_space<hbm>>
      tpu.enqueue_indirect_dma source(%dma_start3A_868 : memref<524160x128xf32, #tpu.memory_space<hbm>>) target(%dma_start3A_862 : memref<128x128xf32, #tpu.memory_space<vmem>>) offsets(%dma_start3A_865 : memref<128xi32, #tpu.memory_space<vmem>>) semaphore(%arg12 : memref<!tpu.dma_semaphore, #tpu.memory_space<semaphore_mem>>)
      %dma_start3A_869 = arith.constant 1 : i32
      %dma_start3A_870 = arith.constant 1 : i32
      %dma_start3A_871 = arith.constant 0 : i32
      %dma_start3A_872 = arith.constant 0 : i32
      %dma_start3A_873 = tpu.memref_slice %arg9[%dma_start3A_870, %dma_start3A_871, %dma_start3A_872] : memref<4x128x128xf32, #tpu.memory_space<vmem>> -> memref<1x128x128xf32, #tpu.memory_space<vmem>>
      %dma_start3A_874 = tpu.memref_squeeze %dma_start3A_873 : memref<1x128x128xf32, #tpu.memory_space<vmem>> -> memref<128x128xf32, #tpu.memory_space<vmem>>
      %dma_start3A_875 = arith.constant 0 : i32
      %dma_start3A_876 = tpu.memref_slice %arg7[%dma_start3A_869, %dma_start3A_875] : memref<4x128xi32, #tpu.memory_space<vmem>> -> memref<1x128xi32, #tpu.memory_space<vmem>>
      %dma_start3A_877 = tpu.memref_squeeze %dma_start3A_876 : memref<1x128xi32, #tpu.memory_space<vmem>> -> memref<128xi32, #tpu.memory_space<vmem>>
      %dma_start3A_878 = arith.constant 0 : i32
      %dma_start3A_879 = arith.constant 0 : i32
      %dma_start3A_880 = tpu.memref_slice %arg3[%dma_start3A_878, %dma_start3A_879] : memref<524160x128xf32, #tpu.memory_space<hbm>> -> memref<524160x128xf32, #tpu.memory_space<hbm>>
      tpu.enqueue_indirect_dma source(%dma_start3A_880 : memref<524160x128xf32, #tpu.memory_space<hbm>>) target(%dma_start3A_874 : memref<128x128xf32, #tpu.memory_space<vmem>>) offsets(%dma_start3A_877 : memref<128xi32, #tpu.memory_space<vmem>>) semaphore(%arg12 : memref<!tpu.dma_semaphore, #tpu.memory_space<semaphore_mem>>)
      %dma_start3A_881 = arith.constant 2 : i32
      %dma_start3A_882 = arith.constant 2 : i32
      %dma_start3A_883 = arith.constant 0 : i32
      %dma_start3A_884 = arith.constant 0 : i32
      %dma_start3A_885 = tpu.memref_slice %arg9[%dma_start3A_882, %dma_start3A_883, %dma_start3A_884] : memref<4x128x128xf32, #tpu.memory_space<vmem>> -> memref<1x128x128xf32, #tpu.memory_space<vmem>>
      %dma_start3A_886 = tpu.memref_squeeze %dma_start3A_885 : memref<1x128x128xf32, #tpu.memory_space<vmem>> -> memref<128x128xf32, #tpu.memory_space<vmem>>
      %dma_start3A_887 = arith.constant 0 : i32
      %dma_start3A_888 = tpu.memref_slice %arg7[%dma_start3A_881, %dma_start3A_887] : memref<4x128xi32, #tpu.memory_space<vmem>> -> memref<1x128xi32, #tpu.memory_space<vmem>>
      %dma_start3A_889 = tpu.memref_squeeze %dma_start3A_888 : memref<1x128xi32, #tpu.memory_space<vmem>> -> memref<128xi32, #tpu.memory_space<vmem>>
      %dma_start3A_890 = arith.constant 0 : i32
      %dma_start3A_891 = arith.constant 0 : i32
      %dma_start3A_892 = tpu.memref_slice %arg3[%dma_start3A_890, %dma_start3A_891] : memref<524160x128xf32, #tpu.memory_space<hbm>> -> memref<524160x128xf32, #tpu.memory_space<hbm>>
      tpu.enqueue_indirect_dma source(%dma_start3A_892 : memref<524160x128xf32, #tpu.memory_space<hbm>>) target(%dma_start3A_886 : memref<128x128xf32, #tpu.memory_space<vmem>>) offsets(%dma_start3A_889 : memref<128xi32, #tpu.memory_space<vmem>>) semaphore(%arg12 : memref<!tpu.dma_semaphore, #tpu.memory_space<semaphore_mem>>)
      %dma_start3A_893 = arith.constant 3 : i32
      %dma_start3A_894 = arith.constant 3 : i32
      %dma_start3A_895 = arith.constant 0 : i32
      %dma_start3A_896 = arith.constant 0 : i32
      %dma_start3A_897 = tpu.memref_slice %arg9[%dma_start3A_894, %dma_start3A_895, %dma_start3A_896] : memref<4x128x128xf32, #tpu.memory_space<vmem>> -> memref<1x128x128xf32, #tpu.memory_space<vmem>>
      %dma_start3A_898 = tpu.memref_squeeze %dma_start3A_897 : memref<1x128x128xf32, #tpu.memory_space<vmem>> -> memref<128x128xf32, #tpu.memory_space<vmem>>
      %dma_start3A_899 = arith.constant 0 : i32
      %dma_start3A_900 = tpu.memref_slice %arg7[%dma_start3A_893, %dma_start3A_899] : memref<4x128xi32, #tpu.memory_space<vmem>> -> memref<1x128xi32, #tpu.memory_space<vmem>>
      %dma_start3A_901 = tpu.memref_squeeze %dma_start3A_900 : memref<1x128xi32, #tpu.memory_space<vmem>> -> memref<128xi32, #tpu.memory_space<vmem>>
      %dma_start3A_902 = arith.constant 0 : i32
      %dma_start3A_903 = arith.constant 0 : i32
      %dma_start3A_904 = tpu.memref_slice %arg3[%dma_start3A_902, %dma_start3A_903] : memref<524160x128xf32, #tpu.memory_space<hbm>> -> memref<524160x128xf32, #tpu.memory_space<hbm>>
      tpu.enqueue_indirect_dma source(%dma_start3A_904 : memref<524160x128xf32, #tpu.memory_space<hbm>>) target(%dma_start3A_898 : memref<128x128xf32, #tpu.memory_space<vmem>>) offsets(%dma_start3A_901 : memref<128xi32, #tpu.memory_space<vmem>>) semaphore(%arg12 : memref<!tpu.dma_semaphore, #tpu.memory_space<semaphore_mem>>)
      %dma_wait3A = arith.constant 0 : i32
      %dma_wait3A_905 = arith.constant 0 : i32
      %dma_wait3A_906 = arith.constant 0 : i32
      %dma_wait3A_907 = arith.constant 0 : i32
      %dma_wait3A_908 = tpu.memref_slice %arg9[%dma_wait3A_905, %dma_wait3A_906, %dma_wait3A_907] : memref<4x128x128xf32, #tpu.memory_space<vmem>> -> memref<1x128x128xf32, #tpu.memory_space<vmem>>
      %dma_wait3A_909 = tpu.memref_squeeze %dma_wait3A_908 : memref<1x128x128xf32, #tpu.memory_space<vmem>> -> memref<128x128xf32, #tpu.memory_space<vmem>>
      %dma_wait3A_910 = arith.constant 0 : i32
      %dma_wait3A_911 = tpu.memref_slice %arg7[%dma_wait3A, %dma_wait3A_910] : memref<4x128xi32, #tpu.memory_space<vmem>> -> memref<1x128xi32, #tpu.memory_space<vmem>>
      %dma_wait3A_912 = tpu.memref_squeeze %dma_wait3A_911 : memref<1x128xi32, #tpu.memory_space<vmem>> -> memref<128xi32, #tpu.memory_space<vmem>>
      %dma_wait3A_913 = arith.constant 0 : i32
      %dma_wait3A_914 = arith.constant 0 : i32
      %dma_wait3A_915 = tpu.memref_slice %arg3[%dma_wait3A_913, %dma_wait3A_914] : memref<524160x128xf32, #tpu.memory_space<hbm>> -> memref<524160x128xf32, #tpu.memory_space<hbm>>
      tpu.wait_indirect_dma semaphore(%arg12 : memref<!tpu.dma_semaphore, #tpu.memory_space<semaphore_mem>>) src(%dma_wait3A_915 : memref<524160x128xf32, #tpu.memory_space<hbm>>) dst(%dma_wait3A_909 : memref<128x128xf32, #tpu.memory_space<vmem>>)
      %dma_wait3A_916 = arith.constant 1 : i32
      %dma_wait3A_917 = arith.constant 1 : i32
      %dma_wait3A_918 = arith.constant 0 : i32
      %dma_wait3A_919 = arith.constant 0 : i32
      %dma_wait3A_920 = tpu.memref_slice %arg9[%dma_wait3A_917, %dma_wait3A_918, %dma_wait3A_919] : memref<4x128x128xf32, #tpu.memory_space<vmem>> -> memref<1x128x128xf32, #tpu.memory_space<vmem>>
      %dma_wait3A_921 = tpu.memref_squeeze %dma_wait3A_920 : memref<1x128x128xf32, #tpu.memory_space<vmem>> -> memref<128x128xf32, #tpu.memory_space<vmem>>
      %dma_wait3A_922 = arith.constant 0 : i32
      %dma_wait3A_923 = tpu.memref_slice %arg7[%dma_wait3A_916, %dma_wait3A_922] : memref<4x128xi32, #tpu.memory_space<vmem>> -> memref<1x128xi32, #tpu.memory_space<vmem>>
      %dma_wait3A_924 = tpu.memref_squeeze %dma_wait3A_923 : memref<1x128xi32, #tpu.memory_space<vmem>> -> memref<128xi32, #tpu.memory_space<vmem>>
      %dma_wait3A_925 = arith.constant 0 : i32
      %dma_wait3A_926 = arith.constant 0 : i32
      %dma_wait3A_927 = tpu.memref_slice %arg3[%dma_wait3A_925, %dma_wait3A_926] : memref<524160x128xf32, #tpu.memory_space<hbm>> -> memref<524160x128xf32, #tpu.memory_space<hbm>>
      tpu.wait_indirect_dma semaphore(%arg12 : memref<!tpu.dma_semaphore, #tpu.memory_space<semaphore_mem>>) src(%dma_wait3A_927 : memref<524160x128xf32, #tpu.memory_space<hbm>>) dst(%dma_wait3A_921 : memref<128x128xf32, #tpu.memory_space<vmem>>)
      %dma_wait3A_928 = arith.constant 2 : i32
      %dma_wait3A_929 = arith.constant 2 : i32
      %dma_wait3A_930 = arith.constant 0 : i32
      %dma_wait3A_931 = arith.constant 0 : i32
      %dma_wait3A_932 = tpu.memref_slice %arg9[%dma_wait3A_929, %dma_wait3A_930, %dma_wait3A_931] : memref<4x128x128xf32, #tpu.memory_space<vmem>> -> memref<1x128x128xf32, #tpu.memory_space<vmem>>
      %dma_wait3A_933 = tpu.memref_squeeze %dma_wait3A_932 : memref<1x128x128xf32, #tpu.memory_space<vmem>> -> memref<128x128xf32, #tpu.memory_space<vmem>>
      %dma_wait3A_934 = arith.constant 0 : i32
      %dma_wait3A_935 = tpu.memref_slice %arg7[%dma_wait3A_928, %dma_wait3A_934] : memref<4x128xi32, #tpu.memory_space<vmem>> -> memref<1x128xi32, #tpu.memory_space<vmem>>
      %dma_wait3A_936 = tpu.memref_squeeze %dma_wait3A_935 : memref<1x128xi32, #tpu.memory_space<vmem>> -> memref<128xi32, #tpu.memory_space<vmem>>
      %dma_wait3A_937 = arith.constant 0 : i32
      %dma_wait3A_938 = arith.constant 0 : i32
      %dma_wait3A_939 = tpu.memref_slice %arg3[%dma_wait3A_937, %dma_wait3A_938] : memref<524160x128xf32, #tpu.memory_space<hbm>> -> memref<524160x128xf32, #tpu.memory_space<hbm>>
      tpu.wait_indirect_dma semaphore(%arg12 : memref<!tpu.dma_semaphore, #tpu.memory_space<semaphore_mem>>) src(%dma_wait3A_939 : memref<524160x128xf32, #tpu.memory_space<hbm>>) dst(%dma_wait3A_933 : memref<128x128xf32, #tpu.memory_space<vmem>>)
      %dma_wait3A_940 = arith.constant 3 : i32
      %dma_wait3A_941 = arith.constant 3 : i32
      %dma_wait3A_942 = arith.constant 0 : i32
      %dma_wait3A_943 = arith.constant 0 : i32
      %dma_wait3A_944 = tpu.memref_slice %arg9[%dma_wait3A_941, %dma_wait3A_942, %dma_wait3A_943] : memref<4x128x128xf32, #tpu.memory_space<vmem>> -> memref<1x128x128xf32, #tpu.memory_space<vmem>>
      %dma_wait3A_945 = tpu.memref_squeeze %dma_wait3A_944 : memref<1x128x128xf32, #tpu.memory_space<vmem>> -> memref<128x128xf32, #tpu.memory_space<vmem>>
      %dma_wait3A_946 = arith.constant 0 : i32
      %dma_wait3A_947 = tpu.memref_slice %arg7[%dma_wait3A_940, %dma_wait3A_946] : memref<4x128xi32, #tpu.memory_space<vmem>> -> memref<1x128xi32, #tpu.memory_space<vmem>>
      %dma_wait3A_948 = tpu.memref_squeeze %dma_wait3A_947 : memref<1x128xi32, #tpu.memory_space<vmem>> -> memref<128xi32, #tpu.memory_space<vmem>>
      %dma_wait3A_949 = arith.constant 0 : i32
      %dma_wait3A_950 = arith.constant 0 : i32
      %dma_wait3A_951 = tpu.memref_slice %arg3[%dma_wait3A_949, %dma_wait3A_950] : memref<524160x128xf32, #tpu.memory_space<hbm>> -> memref<524160x128xf32, #tpu.memory_space<hbm>>
      tpu.wait_indirect_dma semaphore(%arg12 : memref<!tpu.dma_semaphore, #tpu.memory_space<semaphore_mem>>) src(%dma_wait3A_951 : memref<524160x128xf32, #tpu.memory_space<hbm>>) dst(%dma_wait3A_945 : memref<128x128xf32, #tpu.memory_space<vmem>>)
      %scan3A_952 = arith.constant 0 : i32
      %scan3A_953 = arith.constant 128 : i32
      %scan3A_954 = arith.addi %scan3A_952, %scan3A_953 : i32
      %scan3A_955 = arith.constant 1 : i32
      %scan3A_956:8 = scf.for %scan3A_1008 = %scan3A_952 to %scan3A_954 step %scan3A_955 iter_args(%scan3A_1009 = %broadcast_in_dim3A_1, %scan3A_1010 = %broadcast_in_dim3A_1, %scan3A_1011 = %broadcast_in_dim3A_1, %scan3A_1012 = %broadcast_in_dim3A_1, %scan3A_1013 = %broadcast_in_dim3A_1, %scan3A_1014 = %broadcast_in_dim3A_1, %scan3A_1015 = %broadcast_in_dim3A_1, %scan3A_1016 = %broadcast_in_dim3A_1) -> (vector<16xf32>, vector<16xf32>, vector<16xf32>, vector<16xf32>, vector<16xf32>, vector<16xf32>, vector<16xf32>, vector<16xf32>)  : i32 {
        %get3A_1017 = arith.constant 0 : i32
        %get3A_1018 = arith.index_cast %get3A_1017 : i32 to index
        %get3A_1019 = arith.index_cast %scan3A_1008 : i32 to index
        %get3A_1020 = arith.constant 0 : index
        %get3A_1021 = tpu.vector_load %arg9[%get3A_1018, %get3A_1019, %get3A_1020] {strides = array<i32>} : memref<4x128x128xf32, #tpu.memory_space<vmem>>, vector<1x1x16xf32>,
        %get3A_1022 = vector.shape_cast %get3A_1021 : vector<1x1x16xf32> to vector<16xf32>
        %add3A_1023 = arith.addf %scan3A_1009, %get3A_1022 : vector<16xf32>
        %get3A_1024 = arith.constant 0 : i32
        %get3A_1025 = arith.index_cast %get3A_1024 : i32 to index
        %get3A_1026 = arith.index_cast %scan3A_1008 : i32 to index
        %get3A_1027 = arith.constant 16 : index
        %get3A_1028 = tpu.vector_load %arg9[%get3A_1025, %get3A_1026, %get3A_1027] {strides = array<i32>} : memref<4x128x128xf32, #tpu.memory_space<vmem>>, vector<1x1x16xf32>,
        %get3A_1029 = vector.shape_cast %get3A_1028 : vector<1x1x16xf32> to vector<16xf32>
        %add3A_1030 = arith.addf %scan3A_1010, %get3A_1029 : vector<16xf32>
        %get3A_1031 = arith.constant 0 : i32
        %get3A_1032 = arith.index_cast %get3A_1031 : i32 to index
        %get3A_1033 = arith.index_cast %scan3A_1008 : i32 to index
        %get3A_1034 = arith.constant 32 : index
        %get3A_1035 = tpu.vector_load %arg9[%get3A_1032, %get3A_1033, %get3A_1034] {strides = array<i32>} : memref<4x128x128xf32, #tpu.memory_space<vmem>>, vector<1x1x16xf32>,
        %get3A_1036 = vector.shape_cast %get3A_1035 : vector<1x1x16xf32> to vector<16xf32>
        %add3A_1037 = arith.addf %scan3A_1011, %get3A_1036 : vector<16xf32>
        %get3A_1038 = arith.constant 0 : i32
        %get3A_1039 = arith.index_cast %get3A_1038 : i32 to index
        %get3A_1040 = arith.index_cast %scan3A_1008 : i32 to index
        %get3A_1041 = arith.constant 48 : index
        %get3A_1042 = tpu.vector_load %arg9[%get3A_1039, %get3A_1040, %get3A_1041] {strides = array<i32>} : memref<4x128x128xf32, #tpu.memory_space<vmem>>, vector<1x1x16xf32>,
        %get3A_1043 = vector.shape_cast %get3A_1042 : vector<1x1x16xf32> to vector<16xf32>
        %add3A_1044 = arith.addf %scan3A_1012, %get3A_1043 : vector<16xf32>
        %get3A_1045 = arith.constant 0 : i32
        %get3A_1046 = arith.index_cast %get3A_1045 : i32 to index
        %get3A_1047 = arith.index_cast %scan3A_1008 : i32 to index
        %get3A_1048 = arith.constant 64 : index
        %get3A_1049 = tpu.vector_load %arg9[%get3A_1046, %get3A_1047, %get3A_1048] {strides = array<i32>} : memref<4x128x128xf32, #tpu.memory_space<vmem>>, vector<1x1x16xf32>,
        %get3A_1050 = vector.shape_cast %get3A_1049 : vector<1x1x16xf32> to vector<16xf32>
        %add3A_1051 = arith.addf %scan3A_1013, %get3A_1050 : vector<16xf32>
        %get3A_1052 = arith.constant 0 : i32
        %get3A_1053 = arith.index_cast %get3A_1052 : i32 to index
        %get3A_1054 = arith.index_cast %scan3A_1008 : i32 to index
        %get3A_1055 = arith.constant 80 : index
        %get3A_1056 = tpu.vector_load %arg9[%get3A_1053, %get3A_1054, %get3A_1055] {strides = array<i32>} : memref<4x128x128xf32, #tpu.memory_space<vmem>>, vector<1x1x16xf32>,
        %get3A_1057 = vector.shape_cast %get3A_1056 : vector<1x1x16xf32> to vector<16xf32>
        %add3A_1058 = arith.addf %scan3A_1014, %get3A_1057 : vector<16xf32>
        %get3A_1059 = arith.constant 0 : i32
        %get3A_1060 = arith.index_cast %get3A_1059 : i32 to index
        %get3A_1061 = arith.index_cast %scan3A_1008 : i32 to index
        %get3A_1062 = arith.constant 96 : index
        %get3A_1063 = tpu.vector_load %arg9[%get3A_1060, %get3A_1061, %get3A_1062] {strides = array<i32>} : memref<4x128x128xf32, #tpu.memory_space<vmem>>, vector<1x1x16xf32>,
        %get3A_1064 = vector.shape_cast %get3A_1063 : vector<1x1x16xf32> to vector<16xf32>
        %add3A_1065 = arith.addf %scan3A_1015, %get3A_1064 : vector<16xf32>
        %get3A_1066 = arith.constant 0 : i32
        %get3A_1067 = arith.index_cast %get3A_1066 : i32 to index
        %get3A_1068 = arith.index_cast %scan3A_1008 : i32 to index
        %get3A_1069 = arith.constant 112 : index
        %get3A_1070 = tpu.vector_load %arg9[%get3A_1067, %get3A_1068, %get3A_1069] {strides = array<i32>} : memref<4x128x128xf32, #tpu.memory_space<vmem>>, vector<1x1x16xf32>,
        %get3A_1071 = vector.shape_cast %get3A_1070 : vector<1x1x16xf32> to vector<16xf32>
        %add3A_1072 = arith.addf %scan3A_1016, %get3A_1071 : vector<16xf32>
        scf.yield %add3A_1023, %add3A_1030, %add3A_1037, %add3A_1044, %add3A_1051, %add3A_1058, %add3A_1065, %add3A_1072 : vector<16xf32>, vector<16xf32>, vector<16xf32>, vector<16xf32>, vector<16xf32>, vector<16xf32>, vector<16xf32>, vector<16xf32>
      }
      %scan3A_957 = arith.constant 128 : i32
      %scan3A_958 = arith.constant 0 : i32
      %scan3A_959 = arith.constant 128 : i32
      %scan3A_960 = arith.addi %scan3A_958, %scan3A_959 : i32
      %scan3A_961 = arith.constant 1 : i32
      %scan3A_962:8 = scf.for %scan3A_1008 = %scan3A_958 to %scan3A_960 step %scan3A_961 iter_args(%scan3A_1009 = %scan3A_956#0, %scan3A_1010 = %scan3A_956#1, %scan3A_1011 = %scan3A_956#2, %scan3A_1012 = %scan3A_956#3, %scan3A_1013 = %scan3A_956#4, %scan3A_1014 = %scan3A_956#5, %scan3A_1015 = %scan3A_956#6, %scan3A_1016 = %scan3A_956#7) -> (vector<16xf32>, vector<16xf32>, vector<16xf32>, vector<16xf32>, vector<16xf32>, vector<16xf32>, vector<16xf32>, vector<16xf32>)  : i32 {
        %get3A_1017 = arith.constant 1 : i32
        %get3A_1018 = arith.index_cast %get3A_1017 : i32 to index
        %get3A_1019 = arith.index_cast %scan3A_1008 : i32 to index
        %get3A_1020 = arith.constant 0 : index
        %get3A_1021 = tpu.vector_load %arg9[%get3A_1018, %get3A_1019, %get3A_1020] {strides = array<i32>} : memref<4x128x128xf32, #tpu.memory_space<vmem>>, vector<1x1x16xf32>,
        %get3A_1022 = vector.shape_cast %get3A_1021 : vector<1x1x16xf32> to vector<16xf32>
        %add3A_1023 = arith.addf %scan3A_1009, %get3A_1022 : vector<16xf32>
        %get3A_1024 = arith.constant 1 : i32
        %get3A_1025 = arith.index_cast %get3A_1024 : i32 to index
        %get3A_1026 = arith.index_cast %scan3A_1008 : i32 to index
        %get3A_1027 = arith.constant 16 : index
        %get3A_1028 = tpu.vector_load %arg9[%get3A_1025, %get3A_1026, %get3A_1027] {strides = array<i32>} : memref<4x128x128xf32, #tpu.memory_space<vmem>>, vector<1x1x16xf32>,
        %get3A_1029 = vector.shape_cast %get3A_1028 : vector<1x1x16xf32> to vector<16xf32>
        %add3A_1030 = arith.addf %scan3A_1010, %get3A_1029 : vector<16xf32>
        %get3A_1031 = arith.constant 1 : i32
        %get3A_1032 = arith.index_cast %get3A_1031 : i32 to index
        %get3A_1033 = arith.index_cast %scan3A_1008 : i32 to index
        %get3A_1034 = arith.constant 32 : index
        %get3A_1035 = tpu.vector_load %arg9[%get3A_1032, %get3A_1033, %get3A_1034] {strides = array<i32>} : memref<4x128x128xf32, #tpu.memory_space<vmem>>, vector<1x1x16xf32>,
        %get3A_1036 = vector.shape_cast %get3A_1035 : vector<1x1x16xf32> to vector<16xf32>
        %add3A_1037 = arith.addf %scan3A_1011, %get3A_1036 : vector<16xf32>
        %get3A_1038 = arith.constant 1 : i32
        %get3A_1039 = arith.index_cast %get3A_1038 : i32 to index
        %get3A_1040 = arith.index_cast %scan3A_1008 : i32 to index
        %get3A_1041 = arith.constant 48 : index
        %get3A_1042 = tpu.vector_load %arg9[%get3A_1039, %get3A_1040, %get3A_1041] {strides = array<i32>} : memref<4x128x128xf32, #tpu.memory_space<vmem>>, vector<1x1x16xf32>,
        %get3A_1043 = vector.shape_cast %get3A_1042 : vector<1x1x16xf32> to vector<16xf32>
        %add3A_1044 = arith.addf %scan3A_1012, %get3A_1043 : vector<16xf32>
        %get3A_1045 = arith.constant 1 : i32
        %get3A_1046 = arith.index_cast %get3A_1045 : i32 to index
        %get3A_1047 = arith.index_cast %scan3A_1008 : i32 to index
        %get3A_1048 = arith.constant 64 : index
        %get3A_1049 = tpu.vector_load %arg9[%get3A_1046, %get3A_1047, %get3A_1048] {strides = array<i32>} : memref<4x128x128xf32, #tpu.memory_space<vmem>>, vector<1x1x16xf32>,
        %get3A_1050 = vector.shape_cast %get3A_1049 : vector<1x1x16xf32> to vector<16xf32>
        %add3A_1051 = arith.addf %scan3A_1013, %get3A_1050 : vector<16xf32>
        %get3A_1052 = arith.constant 1 : i32
        %get3A_1053 = arith.index_cast %get3A_1052 : i32 to index
        %get3A_1054 = arith.index_cast %scan3A_1008 : i32 to index
        %get3A_1055 = arith.constant 80 : index
        %get3A_1056 = tpu.vector_load %arg9[%get3A_1053, %get3A_1054, %get3A_1055] {strides = array<i32>} : memref<4x128x128xf32, #tpu.memory_space<vmem>>, vector<1x1x16xf32>,
        %get3A_1057 = vector.shape_cast %get3A_1056 : vector<1x1x16xf32> to vector<16xf32>
        %add3A_1058 = arith.addf %scan3A_1014, %get3A_1057 : vector<16xf32>
        %get3A_1059 = arith.constant 1 : i32
        %get3A_1060 = arith.index_cast %get3A_1059 : i32 to index
        %get3A_1061 = arith.index_cast %scan3A_1008 : i32 to index
        %get3A_1062 = arith.constant 96 : index
        %get3A_1063 = tpu.vector_load %arg9[%get3A_1060, %get3A_1061, %get3A_1062] {strides = array<i32>} : memref<4x128x128xf32, #tpu.memory_space<vmem>>, vector<1x1x16xf32>,
        %get3A_1064 = vector.shape_cast %get3A_1063 : vector<1x1x16xf32> to vector<16xf32>
        %add3A_1065 = arith.addf %scan3A_1015, %get3A_1064 : vector<16xf32>
        %get3A_1066 = arith.constant 1 : i32
        %get3A_1067 = arith.index_cast %get3A_1066 : i32 to index
        %get3A_1068 = arith.index_cast %scan3A_1008 : i32 to index
        %get3A_1069 = arith.constant 112 : index
        %get3A_1070 = tpu.vector_load %arg9[%get3A_1067, %get3A_1068, %get3A_1069] {strides = array<i32>} : memref<4x128x128xf32, #tpu.memory_space<vmem>>, vector<1x1x16xf32>,
        %get3A_1071 = vector.shape_cast %get3A_1070 : vector<1x1x16xf32> to vector<16xf32>
        %add3A_1072 = arith.addf %scan3A_1016, %get3A_1071 : vector<16xf32>
        scf.yield %add3A_1023, %add3A_1030, %add3A_1037, %add3A_1044, %add3A_1051, %add3A_1058, %add3A_1065, %add3A_1072 : vector<16xf32>, vector<16xf32>, vector<16xf32>, vector<16xf32>, vector<16xf32>, vector<16xf32>, vector<16xf32>, vector<16xf32>
      }
      %scan3A_963 = arith.constant 128 : i32
      %scan3A_964 = arith.constant 0 : i32
      %scan3A_965 = arith.constant 128 : i32
      %scan3A_966 = arith.addi %scan3A_964, %scan3A_965 : i32
      %scan3A_967 = arith.constant 1 : i32
      %scan3A_968:8 = scf.for %scan3A_1008 = %scan3A_964 to %scan3A_966 step %scan3A_967 iter_args(%scan3A_1009 = %scan3A_962#0, %scan3A_1010 = %scan3A_962#1, %scan3A_1011 = %scan3A_962#2, %scan3A_1012 = %scan3A_962#3, %scan3A_1013 = %scan3A_962#4, %scan3A_1014 = %scan3A_962#5, %scan3A_1015 = %scan3A_962#6, %scan3A_1016 = %scan3A_962#7) -> (vector<16xf32>, vector<16xf32>, vector<16xf32>, vector<16xf32>, vector<16xf32>, vector<16xf32>, vector<16xf32>, vector<16xf32>)  : i32 {
        %get3A_1017 = arith.constant 2 : i32
        %get3A_1018 = arith.index_cast %get3A_1017 : i32 to index
        %get3A_1019 = arith.index_cast %scan3A_1008 : i32 to index
        %get3A_1020 = arith.constant 0 : index
        %get3A_1021 = tpu.vector_load %arg9[%get3A_1018, %get3A_1019, %get3A_1020] {strides = array<i32>} : memref<4x128x128xf32, #tpu.memory_space<vmem>>, vector<1x1x16xf32>,
        %get3A_1022 = vector.shape_cast %get3A_1021 : vector<1x1x16xf32> to vector<16xf32>
        %add3A_1023 = arith.addf %scan3A_1009, %get3A_1022 : vector<16xf32>
        %get3A_1024 = arith.constant 2 : i32
        %get3A_1025 = arith.index_cast %get3A_1024 : i32 to index
        %get3A_1026 = arith.index_cast %scan3A_1008 : i32 to index
        %get3A_1027 = arith.constant 16 : index
        %get3A_1028 = tpu.vector_load %arg9[%get3A_1025, %get3A_1026, %get3A_1027] {strides = array<i32>} : memref<4x128x128xf32, #tpu.memory_space<vmem>>, vector<1x1x16xf32>,
        %get3A_1029 = vector.shape_cast %get3A_1028 : vector<1x1x16xf32> to vector<16xf32>
        %add3A_1030 = arith.addf %scan3A_1010, %get3A_1029 : vector<16xf32>
        %get3A_1031 = arith.constant 2 : i32
        %get3A_1032 = arith.index_cast %get3A_1031 : i32 to index
        %get3A_1033 = arith.index_cast %scan3A_1008 : i32 to index
        %get3A_1034 = arith.constant 32 : index
        %get3A_1035 = tpu.vector_load %arg9[%get3A_1032, %get3A_1033, %get3A_1034] {strides = array<i32>} : memref<4x128x128xf32, #tpu.memory_space<vmem>>, vector<1x1x16xf32>,
        %get3A_1036 = vector.shape_cast %get3A_1035 : vector<1x1x16xf32> to vector<16xf32>
        %add3A_1037 = arith.addf %scan3A_1011, %get3A_1036 : vector<16xf32>
        %get3A_1038 = arith.constant 2 : i32
        %get3A_1039 = arith.index_cast %get3A_1038 : i32 to index
        %get3A_1040 = arith.index_cast %scan3A_1008 : i32 to index
        %get3A_1041 = arith.constant 48 : index
        %get3A_1042 = tpu.vector_load %arg9[%get3A_1039, %get3A_1040, %get3A_1041] {strides = array<i32>} : memref<4x128x128xf32, #tpu.memory_space<vmem>>, vector<1x1x16xf32>,
        %get3A_1043 = vector.shape_cast %get3A_1042 : vector<1x1x16xf32> to vector<16xf32>
        %add3A_1044 = arith.addf %scan3A_1012, %get3A_1043 : vector<16xf32>
        %get3A_1045 = arith.constant 2 : i32
        %get3A_1046 = arith.index_cast %get3A_1045 : i32 to index
        %get3A_1047 = arith.index_cast %scan3A_1008 : i32 to index
        %get3A_1048 = arith.constant 64 : index
        %get3A_1049 = tpu.vector_load %arg9[%get3A_1046, %get3A_1047, %get3A_1048] {strides = array<i32>} : memref<4x128x128xf32, #tpu.memory_space<vmem>>, vector<1x1x16xf32>,
        %get3A_1050 = vector.shape_cast %get3A_1049 : vector<1x1x16xf32> to vector<16xf32>
        %add3A_1051 = arith.addf %scan3A_1013, %get3A_1050 : vector<16xf32>
        %get3A_1052 = arith.constant 2 : i32
        %get3A_1053 = arith.index_cast %get3A_1052 : i32 to index
        %get3A_1054 = arith.index_cast %scan3A_1008 : i32 to index
        %get3A_1055 = arith.constant 80 : index
        %get3A_1056 = tpu.vector_load %arg9[%get3A_1053, %get3A_1054, %get3A_1055] {strides = array<i32>} : memref<4x128x128xf32, #tpu.memory_space<vmem>>, vector<1x1x16xf32>,
        %get3A_1057 = vector.shape_cast %get3A_1056 : vector<1x1x16xf32> to vector<16xf32>
        %add3A_1058 = arith.addf %scan3A_1014, %get3A_1057 : vector<16xf32>
        %get3A_1059 = arith.constant 2 : i32
        %get3A_1060 = arith.index_cast %get3A_1059 : i32 to index
        %get3A_1061 = arith.index_cast %scan3A_1008 : i32 to index
        %get3A_1062 = arith.constant 96 : index
        %get3A_1063 = tpu.vector_load %arg9[%get3A_1060, %get3A_1061, %get3A_1062] {strides = array<i32>} : memref<4x128x128xf32, #tpu.memory_space<vmem>>, vector<1x1x16xf32>,
        %get3A_1064 = vector.shape_cast %get3A_1063 : vector<1x1x16xf32> to vector<16xf32>
        %add3A_1065 = arith.addf %scan3A_1015, %get3A_1064 : vector<16xf32>
        %get3A_1066 = arith.constant 2 : i32
        %get3A_1067 = arith.index_cast %get3A_1066 : i32 to index
        %get3A_1068 = arith.index_cast %scan3A_1008 : i32 to index
        %get3A_1069 = arith.constant 112 : index
        %get3A_1070 = tpu.vector_load %arg9[%get3A_1067, %get3A_1068, %get3A_1069] {strides = array<i32>} : memref<4x128x128xf32, #tpu.memory_space<vmem>>, vector<1x1x16xf32>,
        %get3A_1071 = vector.shape_cast %get3A_1070 : vector<1x1x16xf32> to vector<16xf32>
        %add3A_1072 = arith.addf %scan3A_1016, %get3A_1071 : vector<16xf32>
        scf.yield %add3A_1023, %add3A_1030, %add3A_1037, %add3A_1044, %add3A_1051, %add3A_1058, %add3A_1065, %add3A_1072 : vector<16xf32>, vector<16xf32>, vector<16xf32>, vector<16xf32>, vector<16xf32>, vector<16xf32>, vector<16xf32>, vector<16xf32>
      }
      %scan3A_969 = arith.constant 128 : i32
      %scan3A_970 = arith.constant 0 : i32
      %scan3A_971 = arith.constant 128 : i32
      %scan3A_972 = arith.addi %scan3A_970, %scan3A_971 : i32
      %scan3A_973 = arith.constant 1 : i32
      %scan3A_974:8 = scf.for %scan3A_1008 = %scan3A_970 to %scan3A_972 step %scan3A_973 iter_args(%scan3A_1009 = %scan3A_968#0, %scan3A_1010 = %scan3A_968#1, %scan3A_1011 = %scan3A_968#2, %scan3A_1012 = %scan3A_968#3, %scan3A_1013 = %scan3A_968#4, %scan3A_1014 = %scan3A_968#5, %scan3A_1015 = %scan3A_968#6, %scan3A_1016 = %scan3A_968#7) -> (vector<16xf32>, vector<16xf32>, vector<16xf32>, vector<16xf32>, vector<16xf32>, vector<16xf32>, vector<16xf32>, vector<16xf32>)  : i32 {
        %get3A_1017 = arith.constant 3 : i32
        %get3A_1018 = arith.index_cast %get3A_1017 : i32 to index
        %get3A_1019 = arith.index_cast %scan3A_1008 : i32 to index
        %get3A_1020 = arith.constant 0 : index
        %get3A_1021 = tpu.vector_load %arg9[%get3A_1018, %get3A_1019, %get3A_1020] {strides = array<i32>} : memref<4x128x128xf32, #tpu.memory_space<vmem>>, vector<1x1x16xf32>,
        %get3A_1022 = vector.shape_cast %get3A_1021 : vector<1x1x16xf32> to vector<16xf32>
        %add3A_1023 = arith.addf %scan3A_1009, %get3A_1022 : vector<16xf32>
        %get3A_1024 = arith.constant 3 : i32
        %get3A_1025 = arith.index_cast %get3A_1024 : i32 to index
        %get3A_1026 = arith.index_cast %scan3A_1008 : i32 to index
        %get3A_1027 = arith.constant 16 : index
        %get3A_1028 = tpu.vector_load %arg9[%get3A_1025, %get3A_1026, %get3A_1027] {strides = array<i32>} : memref<4x128x128xf32, #tpu.memory_space<vmem>>, vector<1x1x16xf32>,
        %get3A_1029 = vector.shape_cast %get3A_1028 : vector<1x1x16xf32> to vector<16xf32>
        %add3A_1030 = arith.addf %scan3A_1010, %get3A_1029 : vector<16xf32>
        %get3A_1031 = arith.constant 3 : i32
        %get3A_1032 = arith.index_cast %get3A_1031 : i32 to index
        %get3A_1033 = arith.index_cast %scan3A_1008 : i32 to index
        %get3A_1034 = arith.constant 32 : index
        %get3A_1035 = tpu.vector_load %arg9[%get3A_1032, %get3A_1033, %get3A_1034] {strides = array<i32>} : memref<4x128x128xf32, #tpu.memory_space<vmem>>, vector<1x1x16xf32>,
        %get3A_1036 = vector.shape_cast %get3A_1035 : vector<1x1x16xf32> to vector<16xf32>
        %add3A_1037 = arith.addf %scan3A_1011, %get3A_1036 : vector<16xf32>
        %get3A_1038 = arith.constant 3 : i32
        %get3A_1039 = arith.index_cast %get3A_1038 : i32 to index
        %get3A_1040 = arith.index_cast %scan3A_1008 : i32 to index
        %get3A_1041 = arith.constant 48 : index
        %get3A_1042 = tpu.vector_load %arg9[%get3A_1039, %get3A_1040, %get3A_1041] {strides = array<i32>} : memref<4x128x128xf32, #tpu.memory_space<vmem>>, vector<1x1x16xf32>,
        %get3A_1043 = vector.shape_cast %get3A_1042 : vector<1x1x16xf32> to vector<16xf32>
        %add3A_1044 = arith.addf %scan3A_1012, %get3A_1043 : vector<16xf32>
        %get3A_1045 = arith.constant 3 : i32
        %get3A_1046 = arith.index_cast %get3A_1045 : i32 to index
        %get3A_1047 = arith.index_cast %scan3A_1008 : i32 to index
        %get3A_1048 = arith.constant 64 : index
        %get3A_1049 = tpu.vector_load %arg9[%get3A_1046, %get3A_1047, %get3A_1048] {strides = array<i32>} : memref<4x128x128xf32, #tpu.memory_space<vmem>>, vector<1x1x16xf32>,
        %get3A_1050 = vector.shape_cast %get3A_1049 : vector<1x1x16xf32> to vector<16xf32>
        %add3A_1051 = arith.addf %scan3A_1013, %get3A_1050 : vector<16xf32>
        %get3A_1052 = arith.constant 3 : i32
        %get3A_1053 = arith.index_cast %get3A_1052 : i32 to index
        %get3A_1054 = arith.index_cast %scan3A_1008 : i32 to index
        %get3A_1055 = arith.constant 80 : index
        %get3A_1056 = tpu.vector_load %arg9[%get3A_1053, %get3A_1054, %get3A_1055] {strides = array<i32>} : memref<4x128x128xf32, #tpu.memory_space<vmem>>, vector<1x1x16xf32>,
        %get3A_1057 = vector.shape_cast %get3A_1056 : vector<1x1x16xf32> to vector<16xf32>
        %add3A_1058 = arith.addf %scan3A_1014, %get3A_1057 : vector<16xf32>
        %get3A_1059 = arith.constant 3 : i32
        %get3A_1060 = arith.index_cast %get3A_1059 : i32 to index
        %get3A_1061 = arith.index_cast %scan3A_1008 : i32 to index
        %get3A_1062 = arith.constant 96 : index
        %get3A_1063 = tpu.vector_load %arg9[%get3A_1060, %get3A_1061, %get3A_1062] {strides = array<i32>} : memref<4x128x128xf32, #tpu.memory_space<vmem>>, vector<1x1x16xf32>,
        %get3A_1064 = vector.shape_cast %get3A_1063 : vector<1x1x16xf32> to vector<16xf32>
        %add3A_1065 = arith.addf %scan3A_1015, %get3A_1064 : vector<16xf32>
        %get3A_1066 = arith.constant 3 : i32
        %get3A_1067 = arith.index_cast %get3A_1066 : i32 to index
        %get3A_1068 = arith.index_cast %scan3A_1008 : i32 to index
        %get3A_1069 = arith.constant 112 : index
        %get3A_1070 = tpu.vector_load %arg9[%get3A_1067, %get3A_1068, %get3A_1069] {strides = array<i32>} : memref<4x128x128xf32, #tpu.memory_space<vmem>>, vector<1x1x16xf32>,
        %get3A_1071 = vector.shape_cast %get3A_1070 : vector<1x1x16xf32> to vector<16xf32>
        %add3A_1072 = arith.addf %scan3A_1016, %get3A_1071 : vector<16xf32>
        scf.yield %add3A_1023, %add3A_1030, %add3A_1037, %add3A_1044, %add3A_1051, %add3A_1058, %add3A_1065, %add3A_1072 : vector<16xf32>, vector<16xf32>, vector<16xf32>, vector<16xf32>, vector<16xf32>, vector<16xf32>, vector<16xf32>, vector<16xf32>
      }
      %scan3A_975 = arith.constant 128 : i32
      %swap3A_976 = arith.constant 0 : index
      %swap3A_977 = tpu.vector_load %arg10[%swap3A_976] {strides = array<i32>} : memref<128xf32, #tpu.memory_space<vmem>>, vector<16xf32>,
      %swap3A_978 = vector.shape_cast %swap3A_977 : vector<16xf32> to vector<16xf32>
      %swap3A_979 = vector.shape_cast %scan3A_974#0 : vector<16xf32> to vector<16xf32>
      tpu.vector_store %arg10[%swap3A_976], %swap3A_979 {strides = array<i32>} : memref<128xf32, #tpu.memory_space<vmem>>, vector<16xf32>,
      %swap3A_980 = arith.constant 16 : index
      %swap3A_981 = tpu.vector_load %arg10[%swap3A_980] {strides = array<i32>} : memref<128xf32, #tpu.memory_space<vmem>>, vector<16xf32>,
      %swap3A_982 = vector.shape_cast %swap3A_981 : vector<16xf32> to vector<16xf32>
      %swap3A_983 = vector.shape_cast %scan3A_974#1 : vector<16xf32> to vector<16xf32>
      tpu.vector_store %arg10[%swap3A_980], %swap3A_983 {strides = array<i32>} : memref<128xf32, #tpu.memory_space<vmem>>, vector<16xf32>,
      %swap3A_984 = arith.constant 32 : index
      %swap3A_985 = tpu.vector_load %arg10[%swap3A_984] {strides = array<i32>} : memref<128xf32, #tpu.memory_space<vmem>>, vector<16xf32>,
      %swap3A_986 = vector.shape_cast %swap3A_985 : vector<16xf32> to vector<16xf32>
      %swap3A_987 = vector.shape_cast %scan3A_974#2 : vector<16xf32> to vector<16xf32>
      tpu.vector_store %arg10[%swap3A_984], %swap3A_987 {strides = array<i32>} : memref<128xf32, #tpu.memory_space<vmem>>, vector<16xf32>,
      %swap3A_988 = arith.constant 48 : index
      %swap3A_989 = tpu.vector_load %arg10[%swap3A_988] {strides = array<i32>} : memref<128xf32, #tpu.memory_space<vmem>>, vector<16xf32>,
      %swap3A_990 = vector.shape_cast %swap3A_989 : vector<16xf32> to vector<16xf32>
      %swap3A_991 = vector.shape_cast %scan3A_974#3 : vector<16xf32> to vector<16xf32>
      tpu.vector_store %arg10[%swap3A_988], %swap3A_991 {strides = array<i32>} : memref<128xf32, #tpu.memory_space<vmem>>, vector<16xf32>,
      %swap3A_992 = arith.constant 64 : index
      %swap3A_993 = tpu.vector_load %arg10[%swap3A_992] {strides = array<i32>} : memref<128xf32, #tpu.memory_space<vmem>>, vector<16xf32>,
      %swap3A_994 = vector.shape_cast %swap3A_993 : vector<16xf32> to vector<16xf32>
      %swap3A_995 = vector.shape_cast %scan3A_974#4 : vector<16xf32> to vector<16xf32>
      tpu.vector_store %arg10[%swap3A_992], %swap3A_995 {strides = array<i32>} : memref<128xf32, #tpu.memory_space<vmem>>, vector<16xf32>,
      %swap3A_996 = arith.constant 80 : index
      %swap3A_997 = tpu.vector_load %arg10[%swap3A_996] {strides = array<i32>} : memref<128xf32, #tpu.memory_space<vmem>>, vector<16xf32>,
      %swap3A_998 = vector.shape_cast %swap3A_997 : vector<16xf32> to vector<16xf32>
      %swap3A_999 = vector.shape_cast %scan3A_974#5 : vector<16xf32> to vector<16xf32>
      tpu.vector_store %arg10[%swap3A_996], %swap3A_999 {strides = array<i32>} : memref<128xf32, #tpu.memory_space<vmem>>, vector<16xf32>,
      %swap3A_1000 = arith.constant 96 : index
      %swap3A_1001 = tpu.vector_load %arg10[%swap3A_1000] {strides = array<i32>} : memref<128xf32, #tpu.memory_space<vmem>>, vector<16xf32>,
      %swap3A_1002 = vector.shape_cast %swap3A_1001 : vector<16xf32> to vector<16xf32>
      %swap3A_1003 = vector.shape_cast %scan3A_974#6 : vector<16xf32> to vector<16xf32>
      tpu.vector_store %arg10[%swap3A_1000], %swap3A_1003 {strides = array<i32>} : memref<128xf32, #tpu.memory_space<vmem>>, vector<16xf32>,
      %swap3A_1004 = arith.constant 112 : index
      %swap3A_1005 = tpu.vector_load %arg10[%swap3A_1004] {strides = array<i32>} : memref<128xf32, #tpu.memory_space<vmem>>, vector<16xf32>,
      %swap3A_1006 = vector.shape_cast %swap3A_1005 : vector<16xf32> to vector<16xf32>
      %swap3A_1007 = vector.shape_cast %scan3A_974#7 : vector<16xf32> to vector<16xf32>
      tpu.vector_store %arg10[%swap3A_1004], %swap3A_1007 {strides = array<i32>} : memref<128xf32, #tpu.memory_space<vmem>>, vector<16xf32>,
      "tpu.region"() ({
        %run_scoped3A = tpu.sem_alloc : memref<!tpu.dma_semaphore, #tpu.memory_space<semaphore_mem>>
        %dma_start3A_1008 = arith.constant 0 : i32
        %dma_start3A_1009 = tpu.memref_slice %arg4[%add3A_10, %dma_start3A_1008] : memref<512x128xf32, #tpu.memory_space<hbm>> -> memref<1x128xf32, #tpu.memory_space<hbm>>
        %dma_start3A_1010 = tpu.memref_squeeze %dma_start3A_1009 : memref<1x128xf32, #tpu.memory_space<hbm>> -> memref<128xf32, #tpu.memory_space<hbm>>
        %dma_start3A_1011 = arith.constant 0 : i32
        %dma_start3A_1012 = tpu.memref_slice %arg4[%add3A_10, %dma_start3A_1011] : memref<512x128xf32, #tpu.memory_space<hbm>> -> memref<1x128xf32, #tpu.memory_space<hbm>>
        %dma_start3A_1013 = tpu.memref_squeeze %dma_start3A_1012 : memref<1x128xf32, #tpu.memory_space<hbm>> -> memref<128xf32, #tpu.memory_space<hbm>>
        tpu.enqueue_dma source(%arg10 : memref<128xf32, #tpu.memory_space<vmem>>) target(%dma_start3A_1013 : memref<128xf32, #tpu.memory_space<hbm>>) target_semaphore(%run_scoped3A : memref<!tpu.dma_semaphore, #tpu.memory_space<semaphore_mem>>)
        %dma_wait3A_1014 = arith.constant 0 : i32
        %dma_wait3A_1015 = tpu.memref_slice %arg4[%add3A_10, %dma_wait3A_1014] : memref<512x128xf32, #tpu.memory_space<hbm>> -> memref<1x128xf32, #tpu.memory_space<hbm>>
        %dma_wait3A_1016 = tpu.memref_squeeze %dma_wait3A_1015 : memref<1x128xf32, #tpu.memory_space<hbm>> -> memref<128xf32, #tpu.memory_space<hbm>>
        %dma_wait3A_1017 = arith.constant 0 : i32
        %dma_wait3A_1018 = tpu.memref_slice %arg4[%add3A_10, %dma_wait3A_1017] : memref<512x128xf32, #tpu.memory_space<hbm>> -> memref<1x128xf32, #tpu.memory_space<hbm>>
        %dma_wait3A_1019 = tpu.memref_squeeze %dma_wait3A_1018 : memref<1x128xf32, #tpu.memory_space<hbm>> -> memref<128xf32, #tpu.memory_space<hbm>>
        tpu.wait_dma2 semaphore(%run_scoped3A : memref<!tpu.dma_semaphore, #tpu.memory_space<semaphore_mem>>) src(%arg10 : memref<128xf32, #tpu.memory_space<vmem>>) dst(%dma_wait3A_1019 : memref<128xf32, #tpu.memory_space<hbm>>)
        tpu.yield
      }) : () -> ()
    }
    %scan3A_6 = arith.constant 16 : i32
    return
  }
}

</mosaic_0001>

<sc_bundles>
// kernel: kernel.3.cloned.1.call-start
scs
__scs_entry_jumppad:
0x0: {  	(pc) =	sbr.rel $0x88, $3  }
0x1: {  	(tag) =	ssettag $0x0;
	lr =	simm.s32 $0x1  }
0x2: {  	[smem:$0x3F9F] =	sst lr;
	_ =	strace $0xD0000000  }
0x3: {  	_ = 	snop  }
0x4: {  	_ = 	snop  }
0x5: {  	_ = 	snop  }
0x6: {  	_ = 	snop  }
0x7: {  	_ = 	snop  }
__scs_overlays_trampoline_lowered:
0x8: {  	[smem:$0x3FAE] =	sst s0  }
0x9: {  	[smem:$0x3FAF] =	sst s1  }
0xa: {  	[smem:$0x3FB0] =	sst s2  }
0xb: {  	[smem:$0x3FB1] =	sst s3  }
0xc: {  	[smem:$0x3FB2] =	sst s4  }
0xd: {  	[smem:$0x3FB3] =	sst s5  }
0xe: {  	[smem:$0x3FB4] =	sst s6  }
0xf: {  	[smem:$0x3FB5] =	sst s7  }
0x10: {  	[smem:$0x3FB6] =	sst s8  }
0x11: {  	[smem:$0x3FB7] =	sst s9;
	s0 =	simm.s32 @!p0 $0x0  }
0x12: {  	s1 =	sld [smem:$0x3F9D];
	s0 =	simm.s32 @p0 $0x1  }
0x13: {  	[smem:$0x3FB8] =	sst s0;
	s0 =	simm.s32 @!p1 $0x0  }
0x14: {  	s2 =	sld [smem:$0x3F9C];
	s0 =	simm.s32 @p1 $0x1  }
0x15: {  	[smem:$0x3FB9] =	sst s0;
	s0 =	simm.s32 @!p2 $0x0  }
0x16: {  	s3 =	sld [smem:$0x3FDB];
	s0 =	simm.s32 @p2 $0x1  }
0x17: {  	s4 =	simm.s32 $0x1BF5;
	[smem:$0x3FBB] =	sst s0  }
0x18: {  	s0 =	sld [smem:$0x3F9E];
	_ =	swait.ge [sflag:s4], $0x0  }
0x19: {  	s7 =	sld [smem:$0x3F9F]  }
0x1a: {  	s8 =	sadd.s32 $0xFFFFE003, lr  }
0x1b: {  	s9 =	sadd.s32 $0xFFFFFEF7, lr;
	s5 =	simm.s32 $0xFFFFFFFF;
	p2 =	slt.u32 s8, $0xFFFFF086  }
0x1c: {  	p1 =	slt.u32 s9, $0xF7A;
	s5 =	simm.s32 @!p2 $0x0  }
0x1d: {  	s5 =	simm.s32 @p1 $0x1;
	p0 =	seq.s32 s7, s2  }
0x1e: {  	s7 =	smul.u32 @!p0 $0xF7A, s2;
	p2 =	seq.s32 @!p0 s5, $0x0  }
0x1f: {  	s9 =	smul.u32 $0xF7A, s1;
	s8 =	simm.s32 @!p0 $0x1BF5;
	p2 =	por !p2, p0  }
0x20: {  	[sflag:s8] =	ssyncset.s32 @!p0 $0xFFFFF086;
	s6 =	sadd.s32 @!p0 s3, s7;
	s7 =	simm.s32 @!p0 $0x108  }
0x21: {  	s3 =	sadd.s32 s3, s9;
	s6 =	sadd.s32 @!p0 $0x88, s6;
	s7 =	simm.s32 @p2 $0x1082  }
0x22: {  	[simem:s7], [sflag:s8] =	dma.local @!p0 [hbm:s6], $0xF7A  }
0x23: {  	s9 =	sor.u32 $0xD0000000, s2;
	s6 =	simm.s32 $0x108;
	_ =	swait.ge @!p0 [sflag:s8], $0x0  }
0x24: {  	s3 =	sadd.s32 $0x88, s3;
	s6 =	simm.s32 @!p1 $0x1082;
	[sflag:s4] =	ssyncset.s32 $0xFFFFF086  }
0x25: {  	[simem:s6], [sflag:s4] =	dma.local [hbm:s3], $0xF7A  }
0x26: {  	[smem:$0x3F9F] =	sst s1;
	(tag) =	ssettag s2;
	_ =	strace s9  }
0x27: {  	s1 =	sld [smem:$0x3FAF]  }
0x28: {  	s2 =	sld [smem:$0x3FB0]  }
0x29: {  	s4 =	sld [smem:$0x3FB2]  }
0x2a: {  	p0 =	seq.s32 s5, $0x0;
	s5 =	sld [smem:$0x3FB3]  }
0x2b: {  	s6 =	sld [smem:$0x3FB4]  }
0x2c: {  	s7 =	sld [smem:$0x3FB5]  }
0x2d: {  	s3 =	simm.s32 $0x108;
	s8 =	sld [smem:$0x3FB6]  }
0x2e: {  	s3 =	simm.s32 @!p0 $0x1082;
	s9 =	sld [smem:$0x3FB7]  }
0x2f: {  	lr =	sadd.s32 s0, s3;
	s0 =	sld [smem:$0x3FAE]  }
0x30: {  	s3 =	sld [smem:$0x3FB1]  }
0x31: {  	[smem:$0x3FBA] =	sst s10  }
0x32: {  	s10 =	sld [smem:$0x3FB8];
	_ =	sdelay $0x3  }
0x33: {  	p0 =	seq.s32 s10, $0x1;
	s10 =	sld [smem:$0x3FBA];
	_ =	sdelay $0x3  }
0x34: {  	[smem:$0x3FBA] =	sst s10  }
0x35: {  	s10 =	sld [smem:$0x3FB9];
	_ =	sdelay $0x3  }
0x36: {  	p1 =	seq.s32 s10, $0x1;
	s10 =	sld [smem:$0x3FBA];
	_ =	sdelay $0x3  }
0x37: {  	[smem:$0x3FBA] =	sst s10  }
0x38: {  	s10 =	sld [smem:$0x3FBB]  }
0x39: {  	_ = 	snop;
	(pc) =	sbr.ind lr, $3  }
0x3a: {  	_ = 	snop  }
0x3b: {  	_ = 	snop  }
0x3c: {  	p2 =	seq.s32 s10, $0x1;
	s10 =	sld [smem:$0x3FBA]  }
0x3d: {  	_ =	shalt  }
0x3e: {  	_ =	shalt  }
0x3f: {  	_ =	shalt  }
0x40: {  	_ =	shalt  }
0x41: {  	_ =	shalt  }
0x42: {  	_ =	shalt  }
0x43: {  	_ =	shalt  }
0x44: {  	_ =	shalt  }
0x45: {  	_ =	shalt  }
0x46: {  	_ =	shalt  }
0x47: {  	_ =	shalt  }
0x48: {  	_ =	shalt  }
0x49: {  	_ =	shalt  }
0x4a: {  	_ =	shalt  }
0x4b: {  	_ =	shalt  }
0x4c: {  	_ =	shalt  }
0x4d: {  	_ =	shalt  }
0x4e: {  	_ =	shalt  }
0x4f: {  	_ =	shalt  }
0x50: {  	_ =	shalt  }
0x51: {  	_ =	shalt  }
0x52: {  	_ =	shalt  }
0x53: {  	_ =	shalt  }
0x54: {  	_ =	shalt  }
0x55: {  	_ =	shalt  }
0x56: {  	_ =	shalt  }
0x57: {  	_ =	shalt  }
0x58: {  	_ =	shalt  }
0x59: {  	_ =	shalt  }
0x5a: {  	_ =	shalt  }
0x5b: {  	_ =	shalt  }
0x5c: {  	_ =	shalt  }
0x5d: {  	_ =	shalt  }
0x5e: {  	_ =	shalt  }
0x5f: {  	_ =	shalt  }
0x60: {  	_ =	shalt  }
0x61: {  	_ =	shalt  }
0x62: {  	_ =	shalt  }
0x63: {  	_ =	shalt  }
0x64: {  	_ =	shalt  }
0x65: {  	_ =	shalt  }
0x66: {  	_ =	shalt  }
0x67: {  	_ =	shalt  }
0x68: {  	_ =	shalt  }
0x69: {  	_ =	shalt  }
0x6a: {  	_ =	shalt  }
0x6b: {  	_ =	shalt  }
0x6c: {  	_ =	shalt  }
0x6d: {  	_ =	shalt  }
0x6e: {  	_ =	shalt  }
0x6f: {  	_ =	shalt  }
0x70: {  	_ =	shalt  }
0x71: {  	_ =	shalt  }
0x72: {  	_ =	shalt  }
0x73: {  	_ =	shalt  }
0x74: {  	_ =	shalt  }
0x75: {  	_ =	shalt  }
0x76: {  	_ =	shalt  }
0x77: {  	_ =	shalt  }
0x78: {  	_ =	shalt  }
0x79: {  	_ =	shalt  }
0x7a: {  	_ =	shalt  }
0x7b: {  	_ =	shalt  }
0x7c: {  	_ =	shalt  }
0x7d: {  	_ =	shalt  }
0x7e: {  	_ =	shalt  }
0x7f: {  	_ =	shalt  }
0x80: {  	_ =	shalt  }
0x81: {  	_ =	shalt  }
0x82: {  	_ =	shalt  }
0x83: {  	_ =	shalt  }
0x84: {  	_ =	shalt  }
0x85: {  	_ =	shalt  }
0x86: {  	_ =	shalt  }
0x87: {  	_ =	shalt  }
.Lfunc_end0:
.L_simem_size_0:
called_computation_lowered:
.L_overlay_start_0:
0x88: {  	s2 =	sld [smem:$0x3FD9]  }
0x89: {  	s3 =	sld [smem:$0x3FFE];
	_ =	sdelay $0x1  }
0x8a: {  	s1 =	srdreg.scid  }
0x8b: {  	s0 =	sand.u32 $0x1, s1  }
0x8c: {  	s14 =	sshll.u32 s0, $0xA;
	s2 =	sadd.s32 s3, s2  }
0x8d: {  	s2 =	sadd.s32 s2, s14  }
0x8e: {  	[smem:$0x3FC6] =	sst s2  }
0x8f: {  	_ = 	snop  }
0x90: {  	s2 =	sld [smem:$0x3FD0];
	_ =	sdelay $0x2  }
0x91: {  	s15 =	simm.s32 $0xA;
	s4 =	simm.s32 $0x10  }
0x92: {  	[smem:s4], [sflag:s15] =	dma.local [hbm:s2], $0x1  }
0x93: {  	_ =	swait.eq [sflag:s15], $0x1  }
0x94: {  	[sflag:s15] =	ssyncset.done $0x0  }
0x95: {  	s16 =	sld [smem:$0x10];
	[sflag:s15] =	ssyncadd.s32 $0xFFFFFFFF  }
0x96: {  	s17 =	sld [smem:$0x11];
	(tm) =	ssettm $0x1  }
0x97: {  	s18 =	sld [smem:$0x3FFB];
	_ =	sdelay $0x3  }
0x98: {  	_ =	strace s18  }
0x99: {  	s4 =	sld [smem:$0x3FFC];
	_ =	sdelay $0x3  }
0x9a: {  	_ =	strace s4  }
0x9b: {  	s4 =	sld [smem:$0x3FFD];
	_ =	sdelay $0x3  }
0x9c: {  	_ =	strace s4  }
0x9d: {  	_ =	strace $0x8FFFFFFF  }
0x9e: {  	s19 =	sld [smem:$0x3FDB];
	_ =	sdelay $0x1  }
0x9f: {  	s5 =	simm.s32 $_scs_section_size  }
0xa0: {  	s6 =	simm.s32 $_size__tile_overlayer_lowered;
	s7 =	simm.s32 $_tile_overlayer_lowered  }
0xa1: {  	s22 =	simm.s32 $0x1BFF;
	s21 =	sshll.u32 s7, $0x1;
	s4 =	sadd.s32 s5, s19  }
0xa2: {  	s8 =	simm.s32 $0x0;
	s20 =	sshll.u32 s6, $0x1;
	s6 =	sadd.s32 s21, s4  }
0xa3: {  	[timem:s8], [sflag:s22] =	dma.local [hbm:s6], s20  }
0xa4: {  	_ =	swait.ge [sflag:s22], s20  }
0xa5: {  	s5 =	ssub.s32 $0x0, s20;
	[sflag:s22] =	ssyncset.done $0x0  }
0xa6: {  	[sflag:s22] =	ssyncadd.s32 s5;
	_ =	sdelay $0x1  }
0xa7: {  	s23 =	simm.s32 $0x1B8B  }
0xa8: {  	_ =	swait.ge [sflag:s23], $0x1  }
0xa9: {  	[sflag:s23] =	ssyncset.done $0x0  }
0xaa: {  	s25 =	simm.s32 $0x1B8E;
	s24 =	sld [smem:$0x3FFE];
	[sflag:s23] =	ssyncadd.s32 $0xFFFFFFFF  }
0xab: {  	s26 =	simm.s32 $execute0_lowered;
	[smem:$0x3FD2] =	sst s25  }
0xac: {  	s6 =	sshll.u32 s26, $0x1;
	_ =	strace $0x80000046;
	[dreg:$0x1] =	wrdreg $0xFFFFFFFF  }
0xad: {  	s28 =	simm.s32 $_size_execute0_lowered;
	s4 =	sadd.s32 s4, s6;
	[dreg:$0x0] =	wrdreg $0x0  }
0xae: {  	s6 =	sshll.u32 s28, $0x1;
	[dreg:$0x2] =	wrdreg s4  }
0xaf: {  	[dreg:$0x3] =	wrdreg s6  }
0xb0: {  	[dreg:$0x4] =	wrdreg $0xC0  }
0xb1: {  	_ =	task [dreg:s8], $0x5FFFF  }
0xb2: {  	[dreg:$0x1] =	wrdreg $0xFFFFFFFF  }
0xb3: {  	[dreg:$0x0] =	wrdreg $0x60  }
0xb4: {  	[dreg:$0x2] =	wrdreg s17  }
0xb5: {  	[dreg:$0x3] =	wrdreg s24  }
0xb6: {  	[dreg:$0x4] =	wrdreg s16  }
0xb7: {  	[dreg:$0x5] =	wrdreg $0x9  }
0xb8: {  	_ =	task.clear_ibuf [dreg:s8], $0x6FFFF;
	_ =	strace $0x90000046  }
0xb9: {  	s29 =	simm.s32 $0x9;
	_ =	strace $0x80000048  }
0xba: {  	_ =	swait.ge [sflag:s29], $0x1  }
0xbb: {  	[sflag:s29] =	ssyncadd.s32 $0xFFFFFFFF  }
0xbc: {  	_ =	strace $0x90000048  }
0xbd: {  	_ =	sfence  }
0xbe: {  	s30 =	sld [smem:$0x0];
	_ =	sdelay $0x2  }
0xbf: {  	s31 =	sshll.u32 s1, $0xD;
	s1 =	sshrl.u32 s1, $0x2  }
0xc0: {  	s3 =	sand.u32 $0x4000, s31;
	s1 =	sadd.s32 s1, s30  }
0xc1: {  	s0 =	sor.u32 s3, s0;
	s1 =	sshll.u32 s1, $0x11  }
0xc2: {  	s0 =	sor.u32 s1, s0  }
0xc3: {  	s0 =	sadd.s32 $0x8F2B, s0  }
0xc4: {  	[sflag:s0] =	ssyncadd.remote.s32 $0x1  }
0xc5: {  	_ =	sfence.sel $0xFFFF  }
0xc6: {  	[dreg:$0x0] =	wrdreg $0xFFFFFFFF;
	(pc) =	sbr.abs _section_cstart, $3  }
0xc7: {  	[dreg:$0x1] =	wrdreg $0xFFFFFFFF  }
0xc8: {  	_ =	task.clear_ibuf [dreg:s8], $0x2FFFF;
	_ =	strace $0x9FFFFFFF  }
0xc9: {  	(tm) =	ssettm $0x7FFFFFFF  }
tec
execute0_lowered:
.L_overlay_start_1:
0x0: {  	(tag) =	ssettag $0x1  }
0x1: {  	s1 =	rddreg [dreg:$0x0]  }
0x2: {  	s5 =	rddreg [dreg:$0x1];
	v0 =	vlaneseq.u32  }
0x3: {  	s2 =	rddreg [dreg:$0x2];
	v1 =	vor.u32 $0x10, v0  }
0x4: {  	s0 =	rddreg [dreg:$0x3];
	s3 =	simm.s32 $0x0;
	s4 =	srdreg.scid;
	v2 =	vor.u32 $0x20, v0;
	v3 =	vor.u32 $0x30, v0;
	v4 =	vor.u32 $0x40, v0  }
0x5: {  	s10 =	simm.s32 $0x400;
	s11 =	simm.s32 $0x2;
	s12 =	simm.s32 $0x1200;
	v5 =	vor.u32 $0x50, v0;
	v6 =	vor.u32 $0x60, v0;
	v7 =	vor.u32 $0x70, v0  }
0x6: {  	s13 =	simm.s32 $0x1600;
	s14 =	simm.s32 $0x1280;
	s15 =	simm.s32 $0x5600;
	v8 =	vor.u32 $0x80, v0;
	v9 =	vor.u32 $0x90, v0;
	v10 =	vor.u32 $0xA0, v0  }
0x7: {  	s16 =	simm.s32 $0x1300;
	s17 =	simm.s32 $0x9600;
	s18 =	simm.s32 $0x1380;
	v11 =	vor.u32 $0xB0, v0;
	v12 =	vor.u32 $0xC0, v0;
	v13 =	vor.u32 $0xD0, v0  }
0x8: {  	s19 =	simm.s32 $0xD600;
	s20 =	simm.s32 $0x11600;
	s21 =	simm.s32 $0x0;
	v14 =	vor.u32 $0xE0, v0;
	v15 =	vor.u32 $0xF0, v0;
	v16 =	vor.u32 $0x100, v0  }
.Ltmp0:
0x9: {  	[smem:$0x7FF] =	sst s3;
	s6 =	sand.u32 $0x1, s4;
	v17 =	vor.u32 $0x110, v0;
	v18 =	vor.u32 $0x120, v0;
	v19 =	vor.u32 $0x130, v0;
	(pc) =	sbr.rel .LBB2_1-.Ltmp0, $4  }
0xa: {  	s4 =	stileid.u32;
	s5 =	sadd.s32 $0x800800, s5;
	v20 =	vor.u32 $0x140, v0;
	v21 =	vor.u32 $0x150, v0;
	v22 =	vor.u32 $0x160, v0;
	s7 =	ssub.s32 $0x2, s6  }
0xb: {  	v23 =	vor.u32 $0x170, v0;
	v24 =	vor.u32 $0x180, v0;
	v25 =	vor.u32 $0x190, v0;
	s9 =	sshll.u32 s4, $0x5;
	s6 =	sshll.u32 s6, $0x4;
	s8 =	sshrl.u32 s7, $0x1  }
0xc: {  	v26 =	vor.u32 $0x1A0, v0;
	v27 =	vor.u32 $0x1B0, v0;
	v28 =	vor.u32 $0x1C0, v0;
	_ =	strace $0x80000047;
	s6 =	sor.u32 s6, s9;
	s7 =	ssub.s32 s7, s8  }
0xd: {  	v29 =	vor.u32 $0x1D0, v0;
	v30 =	vor.u32 $0x1E0, v0;
	v31 =	vor.u32 $0x1F0, v0;
	s9 =	simm.s32 $0x80;
	s8 =	simm.s32 $0x1;
	s7 =	smax.u32 s7, $0x1  }
.LBB2_18:
0xe: {  	s21 =	sadd.s32 $0x1, s21  }
0xf: {  	p0 =	sne.s32 s21, s7  }
.Ltmp1:
0x10: {  	_ = 	snop;
	(pc) =	sbr.rel @!p0 .LBB2_19-.Ltmp1, $1  }
0x11: {  	_ =	sdelay $0x3  }
.LBB2_1:
0x12: {  	s22 =	simm.s32 $0x0  }
.LBB2_2:
0x13: {  	s25 =	sadd.s32 s6, s22  }
0x14: {  	s23 =	sshll.u32 s22, $0x7;
	s24 =	sshrl.u32 s25, $0x3  }
0x15: {  	s23 =	sand.u32 $0x380, s23;
	s26 =	sshll.u32 s24, $0xF  }
0x16: {  	s28 =	sand.u32 $0x3, s22;
	s26 =	sor.u32 s23, s26  }
0x17: {  	p0 =	seq.s32 s25, $0x0;
	p1 =	sne.s32 s28, $0x0;
	s26 =	sshrl.u32 s26, $0x3  }
0x18: {  	s28 =	simm.s32 $0x0;
	p0 =	por !p0, !p1;
	s26 =	sadd.s32 s1, s26  }
0x19: {  	[tilespmem:s28], [sflag:$0x2] =	stream.strided.gather [hbm4b:s26+s9], $0x1000, s10, s9, $0x38;
	[tilespmem:$0x11680] =	vst v63  }
0x1a: {  	p0 =	por !p0, !p0;
	s26 =	simm.s32 $0x1  }
0x1b: {  	s25 =	sshrl.u32 s25, $0x2;
	s26 =	simm.s32 @!p0 $0x0  }
0x1c: {  	s25 =	ssub.s32 s25, s26  }
0x1d: {  	_ =	swait.ge [sflag:s11], $0x1000;
	s25 =	smul.u32 $0xFFF, s25  }
0x1e: {  	[sflag:s11] =	ssyncset.done $0x0  }
0x1f: {  	[sflag:s11] =	ssyncadd.s32 $0xFFFFF000;
	v34 =	vadd.s32 s25, v0  }
0x20: {  	v51 =	vadd.s32 s25, v1;
	[tilespmem:$0x1000] =	vst v34  }
0x21: {  	v53 =	vadd.s32 s25, v2;
	[tilespmem:$0x1010] =	vst v51  }
0x22: {  	v55 =	vadd.s32 s25, v3;
	[tilespmem:$0x1020] =	vst v53  }
0x23: {  	v57 =	vadd.s32 s25, v4;
	[tilespmem:$0x1030] =	vst v55  }
0x24: {  	v59 =	vadd.s32 s25, v5;
	[tilespmem:$0x1040] =	vst v57  }
0x25: {  	v61 =	vadd.s32 s25, v6;
	[tilespmem:$0x1050] =	vst v59  }
0x26: {  	v63 =	vadd.s32 s25, v7;
	[tilespmem:$0x1060] =	vst v61  }
0x27: {  	v37 =	vadd.s32 s25, v8;
	[tilespmem:$0x1070] =	vst v63  }
0x28: {  	v39 =	vadd.s32 s25, v9;
	[tilespmem:$0x1080] =	vst v37  }
0x29: {  	v41 =	vadd.s32 s25, v10;
	[tilespmem:$0x1090] =	vst v39  }
0x2a: {  	v43 =	vadd.s32 s25, v11;
	[tilespmem:$0x10A0] =	vst v41  }
0x2b: {  	v45 =	vadd.s32 s25, v12;
	[tilespmem:$0x10B0] =	vst v43  }
0x2c: {  	v47 =	vadd.s32 s25, v13;
	[tilespmem:$0x10C0] =	vst v45  }
0x2d: {  	v49 =	vadd.s32 s25, v14;
	[tilespmem:$0x10D0] =	vst v47  }
0x2e: {  	[tilespmem:$0x10E0] =	vst v49;
	v51 =	vadd.s32 s25, v15  }
0x2f: {  	v53 =	vadd.s32 s25, v16;
	[tilespmem:$0x10F0] =	vst v51  }
0x30: {  	v55 =	vadd.s32 s25, v17;
	[tilespmem:$0x1100] =	vst v53  }
0x31: {  	v57 =	vadd.s32 s25, v18;
	[tilespmem:$0x1110] =	vst v55  }
0x32: {  	v59 =	vadd.s32 s25, v19;
	[tilespmem:$0x1120] =	vst v57  }
0x33: {  	v61 =	vadd.s32 s25, v20;
	[tilespmem:$0x1130] =	vst v59  }
0x34: {  	v63 =	vadd.s32 s25, v21;
	[tilespmem:$0x1140] =	vst v61  }
0x35: {  	v37 =	vadd.s32 s25, v22;
	[tilespmem:$0x1150] =	vst v63  }
0x36: {  	v39 =	vadd.s32 s25, v23;
	[tilespmem:$0x1160] =	vst v37  }
0x37: {  	v41 =	vadd.s32 s25, v24;
	[tilespmem:$0x1170] =	vst v39  }
0x38: {  	v43 =	vadd.s32 s25, v25;
	[tilespmem:$0x1180] =	vst v41  }
0x39: {  	v45 =	vadd.s32 s25, v26;
	[tilespmem:$0x1190] =	vst v43  }
0x3a: {  	v47 =	vadd.s32 s25, v27;
	[tilespmem:$0x11A0] =	vst v45  }
0x3b: {  	v32 =	vld [tilespmem:$0x0];
	v49 =	vadd.s32 s25, v28;
	[tilespmem:$0x11B0] =	vst v47  }
0x3c: {  	v33 =	vld [tilespmem:$0x10];
	[tilespmem:$0x11C0] =	vst v49;
	v51 =	vadd.s32 s25, v29  }
0x3d: {  	v50 =	vld [tilespmem:$0x20];
	v53 =	vadd.s32 s25, v30;
	[tilespmem:$0x11D0] =	vst v51  }
0x3e: {  	v52 =	vld [tilespmem:$0x30];
	v55 =	vadd.s32 s25, v31;
	[tilespmem:$0x11E0] =	vst v53  }
0x3f: {  	v54 =	vld [tilespmem:$0x40];
	[tilespmem:$0x11F0] =	vst v55  }
0x40: {  	v56 =	vld [tilespmem:$0x50];
	[tilespmem:$0x1400] =	vst v32  }
0x41: {  	v58 =	vld [tilespmem:$0x60];
	[tilespmem:$0x1410] =	vst v33  }
0x42: {  	v60 =	vld [tilespmem:$0x70];
	[tilespmem:$0x1420] =	vst v50  }
0x43: {  	v62 =	vld [tilespmem:$0x80];
	[tilespmem:$0x1430] =	vst v52  }
0x44: {  	v36 =	vld [tilespmem:$0x90];
	[tilespmem:$0x1440] =	vst v54  }
0x45: {  	v38 =	vld [tilespmem:$0xA0];
	[tilespmem:$0x1450] =	vst v56  }
0x46: {  	v40 =	vld [tilespmem:$0xB0];
	[tilespmem:$0x1460] =	vst v58  }
0x47: {  	v42 =	vld [tilespmem:$0xC0];
	[tilespmem:$0x1470] =	vst v60  }
0x48: {  	v44 =	vld [tilespmem:$0xD0];
	[tilespmem:$0x1480] =	vst v62  }
0x49: {  	v46 =	vld [tilespmem:$0xE0];
	[tilespmem:$0x1490] =	vst v36  }
0x4a: {  	v48 =	vld [tilespmem:$0xF0];
	[tilespmem:$0x14A0] =	vst v38  }
0x4b: {  	v35 =	vld [tilespmem:$0x1000];
	[tilespmem:$0x14B0] =	vst v40  }
0x4c: {  	v57 =	vld [tilespmem:$0x1040];
	[tilespmem:$0x14C0] =	vst v42  }
0x4d: {  	v59 =	vld [tilespmem:$0x1060];
	[tilespmem:$0x14D0] =	vst v44  }
0x4e: {  	v61 =	vld [tilespmem:$0x1080];
	[tilespmem:$0x14E0] =	vst v46  }
0x4f: {  	v63 =	vld [tilespmem:$0x10A0];
	[tilespmem:$0x14F0] =	vst v48  }
0x50: {  	v41 =	vld [tilespmem:$0x10C0];
	[tilespmem:$0x1200] =	vst v35  }
0x51: {  	v43 =	vld [tilespmem:$0x10E0];
	[tilespmem:$0x1240] =	vst v57  }
0x52: {  	v45 =	vld [tilespmem:$0x1100];
	[tilespmem:$0x1260] =	vst v59  }
0x53: {  	v47 =	vld [tilespmem:$0x1120];
	[tilespmem:$0x1280] =	vst v61  }
0x54: {  	v49 =	vld [tilespmem:$0x1140];
	[tilespmem:$0x12A0] =	vst v63  }
0x55: {  	v51 =	vld [tilespmem:$0x1160];
	[tilespmem:$0x12C0] =	vst v41  }
0x56: {  	v53 =	vld [tilespmem:$0x1180];
	[tilespmem:$0x12E0] =	vst v43  }
0x57: {  	v55 =	vld [tilespmem:$0x11A0];
	[tilespmem:$0x1300] =	vst v45  }
0x58: {  	v50 =	vld [tilespmem:$0x100];
	[tilespmem:$0x1320] =	vst v47  }
0x59: {  	v52 =	vld [tilespmem:$0x110];
	[tilespmem:$0x1340] =	vst v49  }
0x5a: {  	v54 =	vld [tilespmem:$0x120];
	[tilespmem:$0x1360] =	vst v51  }
0x5b: {  	v56 =	vld [tilespmem:$0x130];
	[tilespmem:$0x1380] =	vst v53  }
0x5c: {  	v58 =	vld [tilespmem:$0x140];
	[tilespmem:$0x13A0] =	vst v55  }
0x5d: {  	v60 =	vld [tilespmem:$0x150];
	[tilespmem:$0x1500] =	vst v50  }
0x5e: {  	v62 =	vld [tilespmem:$0x160];
	[tilespmem:$0x1510] =	vst v52  }
0x5f: {  	v36 =	vld [tilespmem:$0x170];
	[tilespmem:$0x1520] =	vst v54  }
0x60: {  	v38 =	vld [tilespmem:$0x180];
	[tilespmem:$0x1530] =	vst v56  }
0x61: {  	v40 =	vld [tilespmem:$0x190];
	[tilespmem:$0x1540] =	vst v58  }
0x62: {  	v42 =	vld [tilespmem:$0x1A0];
	[tilespmem:$0x1550] =	vst v60  }
0x63: {  	v44 =	vld [tilespmem:$0x1B0];
	[tilespmem:$0x1560] =	vst v62  }
0x64: {  	v46 =	vld [tilespmem:$0x1C0];
	[tilespmem:$0x1570] =	vst v36  }
0x65: {  	v48 =	vld [tilespmem:$0x1D0];
	[tilespmem:$0x1580] =	vst v38  }
0x66: {  	v57 =	vld [tilespmem:$0x11C0];
	[tilespmem:$0x1590] =	vst v40  }
0x67: {  	v59 =	vld [tilespmem:$0x11E0];
	[tilespmem:$0x15A0] =	vst v42  }
0x68: {  	[tilespmem:$0x15B0] =	vst v44;
	v50 =	vld [tilespmem:$0x1E0]  }
0x69: {  	[tilespmem:$0x15C0] =	vst v46;
	v52 =	vld [tilespmem:$0x1F0]  }
0x6a: {  	[tilespmem:$0x15D0] =	vst v48;
	v54 =	vld [tilespmem:$0x1010]  }
0x6b: {  	v36 =	vld [tilespmem:$0x1020];
	[tilespmem:$0x13C0] =	vst v57  }
0x6c: {  	v56 =	vld [tilespmem:$0x1030];
	[tilespmem:$0x13E0] =	vst v59  }
0x6d: {  	v58 =	vld [tilespmem:$0x1050];
	[tilespmem:$0x15E0] =	vst v50  }
0x6e: {  	v60 =	vld [tilespmem:$0x1070];
	[tilespmem:$0x15F0] =	vst v52  }
0x6f: {  	v62 =	vld [tilespmem:$0x1090];
	[tilespmem:$0x1210] =	vst v54  }
0x70: {  	v40 =	vld [tilespmem:$0x10B0];
	[tilespmem:$0x1220] =	vst v36  }
0x71: {  	v42 =	vld [tilespmem:$0x10D0];
	[tilespmem:$0x1230] =	vst v56  }
0x72: {  	v44 =	vld [tilespmem:$0x10F0];
	[tilespmem:$0x1250] =	vst v58  }
0x73: {  	v46 =	vld [tilespmem:$0x1110];
	[tilespmem:$0x1270] =	vst v60  }
0x74: {  	v48 =	vld [tilespmem:$0x1130];
	[tilespmem:$0x1290] =	vst v62  }
0x75: {  	[tilespmem:$0x12B0] =	vst v40;
	v50 =	vld [tilespmem:$0x1150]  }
0x76: {  	[tilespmem:$0x12D0] =	vst v42;
	v52 =	vld [tilespmem:$0x1170]  }
0x77: {  	[tilespmem:$0x12F0] =	vst v44;
	v54 =	vld [tilespmem:$0x1190]  }
0x78: {  	[tilespmem:$0x1310] =	vst v46;
	v56 =	vld [tilespmem:$0x11B0]  }
0x79: {  	[tilespmem:$0x1330] =	vst v48;
	v58 =	vld [tilespmem:$0x11D0]  }
0x7a: {  	v60 =	vld [tilespmem:$0x11F0];
	[tilespmem:$0x1350] =	vst v50  }
0x7b: {  	[tilespmem:$0x1370] =	vst v52  }
0x7c: {  	[tilespmem:$0x1390] =	vst v54  }
0x7d: {  	[tilespmem:$0x13B0] =	vst v56  }
0x7e: {  	[tilespmem:$0x13D0] =	vst v58  }
0x7f: {  	[tilespmem:$0x13F0] =	vst v60  }
0x80: {  	[tilespmem:s13], [sflag:$0x1] =	stream.indirect.gather [hbm4b:s5+s9], $0x80, s12, s9, $0xb8;
	[tilespmem:$0x11680] =	vst v63  }
0x81: {  	_ = 	snop  }
0x82: {  	[tilespmem:s15], [sflag:$0x1] =	stream.indirect.gather [hbm4b:s5+s9], $0x80, s14, s9, $0xb8;
	[tilespmem:$0x11680] =	vst v63  }
0x83: {  	_ = 	snop  }
0x84: {  	[tilespmem:s17], [sflag:$0x1] =	stream.indirect.gather [hbm4b:s5+s9], $0x80, s16, s9, $0xb8;
	[tilespmem:$0x11680] =	vst v63  }
0x85: {  	_ = 	snop  }
0x86: {  	[tilespmem:s19], [sflag:$0x1] =	stream.indirect.gather [hbm4b:s5+s9], $0x80, s18, s9, $0xb8;
	[tilespmem:$0x11680] =	vst v63  }
0x87: {  	_ =	swait.ge [sflag:s8], $0x4000  }
0x88: {  	[sflag:s8] =	ssyncset.done $0x0  }
0x89: {  	[sflag:s8] =	ssyncadd.s32 $0xFFFFC000  }
0x8a: {  	_ =	swait.ge [sflag:s8], $0x4000  }
0x8b: {  	[sflag:s8] =	ssyncset.done $0x0  }
0x8c: {  	[sflag:s8] =	ssyncadd.s32 $0xFFFFC000  }
0x8d: {  	_ =	swait.ge [sflag:s8], $0x4000  }
0x8e: {  	[sflag:s8] =	ssyncset.done $0x0  }
0x8f: {  	[sflag:s8] =	ssyncadd.s32 $0xFFFFC000  }
0x90: {  	_ =	swait.ge [sflag:s8], $0x4000  }
0x91: {  	[sflag:s8] =	ssyncset.done $0x0  }
0x92: {  	s25 =	simm.s32 $0x0;
	[sflag:s8] =	ssyncadd.s32 $0xFFFFC000  }
0x93: {  	v61 =	vld [tilespmem:s25+$0x1670]  }
0x94: {  	v62 =	vld [tilespmem:s25+$0x1600]  }
0x95: {  	v63 =	vld [tilespmem:s25+$0x1610]  }
0x96: {  	v37 =	vld [tilespmem:s25+$0x1620]  }
0x97: {  	v40 =	vld [tilespmem:s25+$0x1630]  }
0x98: {  	v39 =	vimm.f32 $0.0e+00;
	v35 =	vimm.f32 $0.0e+00;
	v38 =	vld [tilespmem:s25+$0x1640]  }
0x99: {  	v41 =	vimm.f32 $0.0e+00;
	v36 =	vimm.f32 $0.0e+00;
	v43 =	vld [tilespmem:s25+$0x1650];
	v33 =	vadd.f32 v61, v35  }
0x9a: {  	s28 =	simm.s32 $0x400;
	s26 =	simm.s32 $0x80;
	v42 =	vimm.f32 $0.0e+00;
	v44 =	vld [tilespmem:s25+$0x1660];
	v32 =	vadd.f32 v62, v35;
	v34 =	vadd.f32 v63, v35  }
.LBB2_3:
0x9b: {  	p0 =	sne.s32 s28, $0xFE00;
	v45 =	vld [tilespmem:s26+$0x1670];
	v35 =	vadd.f32 v37, v35  }
0x9c: {  	v46 =	vld [tilespmem:s26+$0x1600];
	v36 =	vadd.f32 v40, v36  }
0x9d: {  	v47 =	vld [tilespmem:s26+$0x1610];
	v41 =	vadd.f32 v38, v41  }
.Ltmp2:
0x9e: {  	v37 =	vld [tilespmem:s26+$0x1620];
	v42 =	vadd.f32 v43, v42;
	(pc) =	sbr.rel @p0 .LBB2_3-.Ltmp2, $4  }
0x9f: {  	v40 =	vld [tilespmem:s26+$0x1630];
	v39 =	vadd.f32 v44, v39  }
0xa0: {  	v38 =	vld [tilespmem:s26+$0x1640];
	v33 =	vadd.f32 v45, v33  }
0xa1: {  	v32 =	vadd.f32 v46, v32;
	v43 =	vld [tilespmem:s26+$0x1650]  }
0xa2: {  	v34 =	vadd.f32 v47, v34;
	v44 =	vld [tilespmem:s26+$0x1660];
	s26 =	sshra.s32 s28, $0x2;
	s28 =	sadd.s32 $0x200, s28  }
0xa3: {  	v45 =	vld [tilespmem:s26+$0x1670]  }
0xa4: {  	v46 =	vld [tilespmem:s26+$0x1600]  }
0xa5: {  	v47 =	vld [tilespmem:s26+$0x1610]  }
0xa6: {  	v48 =	vld [tilespmem:s26+$0x1620]  }
0xa7: {  	v49 =	vld [tilespmem:s26+$0x1630]  }
0xa8: {  	v50 =	vld [tilespmem:s26+$0x1640]  }
0xa9: {  	v51 =	vld [tilespmem:s26+$0x1650]  }
0xaa: {  	v52 =	vld [tilespmem:s26+$0x1660]  }
0xab: {  	v35 =	vadd.f32 v37, v35;
	v59 =	vld [tilespmem:s25+$0x5670];
	v36 =	vadd.f32 v40, v36  }
0xac: {  	v53 =	vld [tilespmem:s25+$0x5600];
	v38 =	vadd.f32 v38, v41;
	v42 =	vadd.f32 v43, v42  }
0xad: {  	v61 =	vld [tilespmem:s25+$0x5610];
	v39 =	vadd.f32 v44, v39;
	v60 =	vadd.f32 v45, v33  }
0xae: {  	v40 =	vld [tilespmem:s25+$0x5620];
	v62 =	vadd.f32 v46, v32;
	v63 =	vadd.f32 v47, v34  }
0xaf: {  	v41 =	vld [tilespmem:s25+$0x5630];
	v34 =	vadd.f32 v48, v35;
	v32 =	vadd.f32 v49, v36  }
0xb0: {  	v35 =	vadd.f32 v50, v38;
	v33 =	vadd.f32 v51, v42;
	v42 =	vld [tilespmem:s25+$0x5640]  }
0xb1: {  	v43 =	vld [tilespmem:s25+$0x5650];
	v36 =	vadd.f32 v52, v39;
	v37 =	vadd.f32 v59, v60  }
0xb2: {  	s26 =	simm.s32 $0x80;
	s28 =	simm.s32 $0x400;
	v44 =	vld [tilespmem:s25+$0x5660];
	v38 =	vadd.f32 v53, v62;
	v39 =	vadd.f32 v61, v63  }
.LBB2_5:
0xb3: {  	p0 =	sne.s32 s28, $0xFE00;
	v45 =	vld [tilespmem:s26+$0x5670];
	v34 =	vadd.f32 v40, v34  }
0xb4: {  	v46 =	vld [tilespmem:s26+$0x5600];
	v32 =	vadd.f32 v41, v32  }
0xb5: {  	v47 =	vld [tilespmem:s26+$0x5610];
	v35 =	vadd.f32 v42, v35  }
.Ltmp3:
0xb6: {  	v40 =	vld [tilespmem:s26+$0x5620];
	v33 =	vadd.f32 v43, v33;
	(pc) =	sbr.rel @p0 .LBB2_5-.Ltmp3, $4  }
0xb7: {  	v41 =	vld [tilespmem:s26+$0x5630];
	v36 =	vadd.f32 v44, v36  }
0xb8: {  	v42 =	vld [tilespmem:s26+$0x5640];
	v37 =	vadd.f32 v45, v37  }
0xb9: {  	v38 =	vadd.f32 v46, v38;
	v43 =	vld [tilespmem:s26+$0x5650]  }
0xba: {  	v39 =	vadd.f32 v47, v39;
	v44 =	vld [tilespmem:s26+$0x5660];
	s26 =	sshra.s32 s28, $0x2;
	s28 =	sadd.s32 $0x200, s28  }
0xbb: {  	v45 =	vld [tilespmem:s26+$0x5670]  }
0xbc: {  	v46 =	vld [tilespmem:s26+$0x5600]  }
0xbd: {  	v47 =	vld [tilespmem:s26+$0x5610]  }
0xbe: {  	v48 =	vld [tilespmem:s26+$0x5620]  }
0xbf: {  	v49 =	vld [tilespmem:s26+$0x5630]  }
0xc0: {  	v50 =	vld [tilespmem:s26+$0x5640]  }
0xc1: {  	v34 =	vadd.f32 v40, v34;
	v62 =	vld [tilespmem:s26+$0x5650]  }
0xc2: {  	v63 =	vld [tilespmem:s26+$0x5660];
	p1 =	por $0x1, $0x1;
	v41 =	vadd.f32 v41, v32;
	v35 =	vadd.f32 v42, v35  }
.Ltmp4:
0xc3: {  	v43 =	vadd.f32 v43, v33;
	v36 =	vadd.f32 v44, v36;
	(pc) =	sbr.rel @!p1 .LBB2_7-.Ltmp4, $4  }
0xc4: {  	v32 =	vadd.f32 v45, v37;
	v37 =	vadd.f32 v46, v38  }
0xc5: {  	v38 =	vadd.f32 v47, v39;
	v33 =	vadd.f32 v48, v34  }
0xc6: {  	v34 =	vadd.f32 v49, v41;
	v35 =	vadd.f32 v50, v35  }
0xc7: {  	s25 =	simm.s32 $0x0;
	p0 =	por $0x0, $0x0;
	v39 =	vadd.f32 v62, v43;
	v36 =	vadd.f32 v63, v36  }
0xc8: {  	v43 =	vld [tilespmem:s25+$0x9670]  }
0xc9: {  	v44 =	vld [tilespmem:s25+$0x9600]  }
0xca: {  	v46 =	vld [tilespmem:s25+$0x9610];
	p3 =	por $0x1, $0x1  }
.Ltmp5:
0xcb: {  	v40 =	vld [tilespmem:s25+$0x9620];
	(pc) =	sbr.rel @!p3 .LBB2_9-.Ltmp5, $4  }
0xcc: {  	v41 =	vld [tilespmem:s25+$0x9630]  }
0xcd: {  	v42 =	vld [tilespmem:s25+$0x9640]  }
0xce: {  	v45 =	vld [tilespmem:s25+$0x9650];
	v47 =	vmov v39;
	v49 =	vmov v36;
	v32 =	vadd.f32 v43, v32  }
0xcf: {  	s26 =	simm.s32 $0x80;
	s28 =	simm.s32 $0x400;
	v48 =	vld [tilespmem:s25+$0x9660];
	p2 =	por $0x1, $0x1;
	v37 =	vadd.f32 v44, v37;
	v38 =	vadd.f32 v46, v38;
	v43 =	vmovc v33;
	v44 =	vmovc v34;
	v46 =	vmov v35  }
.LBB2_10:
0xd0: {  	p3 =	sne.s32 s28, $0xFE00;
	v50 =	vld [tilespmem:s26+$0x9670];
	v43 =	vadd.f32 v40, v43  }
0xd1: {  	v51 =	vld [tilespmem:s26+$0x9600];
	v44 =	vadd.f32 v41, v44  }
0xd2: {  	v52 =	vld [tilespmem:s26+$0x9610];
	v46 =	vadd.f32 v42, v46  }
.Ltmp6:
0xd3: {  	v40 =	vld [tilespmem:s26+$0x9620];
	v47 =	vadd.f32 v45, v47;
	(pc) =	sbr.rel @p3 .LBB2_10-.Ltmp6, $4  }
0xd4: {  	v41 =	vld [tilespmem:s26+$0x9630];
	v49 =	vadd.f32 v48, v49  }
0xd5: {  	v42 =	vld [tilespmem:s26+$0x9640];
	v32 =	vadd.f32 v50, v32  }
0xd6: {  	v37 =	vadd.f32 v51, v37;
	v45 =	vld [tilespmem:s26+$0x9650]  }
0xd7: {  	v38 =	vadd.f32 v52, v38;
	v48 =	vld [tilespmem:s26+$0x9660];
	s26 =	sshra.s32 s28, $0x2;
	s28 =	sadd.s32 $0x200, s28  }
.LBB2_11:
0xd8: {  	v50 =	vld [tilespmem:s26+$0x9670]  }
0xd9: {  	v51 =	vld [tilespmem:s26+$0x9600]  }
0xda: {  	v52 =	vld [tilespmem:s26+$0x9610]  }
0xdb: {  	v53 =	vld [tilespmem:s26+$0x9620]  }
0xdc: {  	v54 =	vld [tilespmem:s26+$0x9630]  }
0xdd: {  	v43 =	vadd.f32 @p2 v40, v43;
	v55 =	vld [tilespmem:s26+$0x9640]  }
0xde: {  	v61 =	vld [tilespmem:s26+$0x9650];
	v41 =	vadd.f32 @p2 v41, v44  }
0xdf: {  	v62 =	vld [tilespmem:s26+$0x9660];
	v42 =	vadd.f32 @p2 v42, v46;
	v33 =	vpsel p2, v43, v33  }
.Ltmp7:
0xe0: {  	v45 =	vadd.f32 @p2 v45, v47;
	v34 =	vpsel p2, v41, v34;
	v46 =	vadd.f32 @p2 v48, v49;
	(pc) =	sbr.rel @!p1 .LBB2_12-.Ltmp7, $4  }
0xe1: {  	v35 =	vpsel p2, v42, v35;
	v32 =	vadd.f32 v50, v32;
	v40 =	vadd.f32 v51, v37  }
0xe2: {  	v37 =	vadd.f32 v52, v38;
	v39 =	vpsel p2, v45, v39;
	v38 =	vadd.f32 v53, v33  }
0xe3: {  	v35 =	vadd.f32 v55, v35;
	v63 =	vpsel p2, v46, v36;
	v36 =	vadd.f32 v54, v34  }
0xe4: {  	v34 =	vadd.f32 v61, v39;
	v33 =	vadd.f32 v62, v63  }
0xe5: {  	v43 =	vld [tilespmem:s25+$0xD670]  }
0xe6: {  	v44 =	vld [tilespmem:s25+$0xD600]  }
0xe7: {  	v45 =	vld [tilespmem:s25+$0xD610];
	p1 =	por $0x1, $0x1  }
.Ltmp8:
0xe8: {  	v39 =	vld [tilespmem:s25+$0xD620];
	(pc) =	sbr.rel @!p1 .LBB2_14-.Ltmp8, $4  }
0xe9: {  	v41 =	vld [tilespmem:s25+$0xD630]  }
0xea: {  	v42 =	vld [tilespmem:s25+$0xD640]  }
0xeb: {  	v46 =	vmov v36;
	v47 =	vmov v35;
	v32 =	vadd.f32 v43, v32;
	v43 =	vld [tilespmem:s25+$0xD650]  }
0xec: {  	s26 =	simm.s32 $0x80;
	s28 =	simm.s32 $0x400;
	p0 =	por $0x1, $0x1;
	v48 =	vmovc v34;
	v49 =	vmovc v33;
	v40 =	vadd.f32 v44, v40;
	v37 =	vadd.f32 v45, v37;
	v45 =	vld [tilespmem:s25+$0xD660];
	v44 =	vmov v38  }
.LBB2_15:
0xed: {  	p1 =	sne.s32 s28, $0xFE00;
	v50 =	vld [tilespmem:s26+$0xD670];
	v44 =	vadd.f32 v39, v44  }
0xee: {  	v51 =	vld [tilespmem:s26+$0xD600];
	v46 =	vadd.f32 v41, v46  }
0xef: {  	v52 =	vld [tilespmem:s26+$0xD610];
	v47 =	vadd.f32 v42, v47  }
.Ltmp9:
0xf0: {  	v39 =	vld [tilespmem:s26+$0xD620];
	v48 =	vadd.f32 v43, v48;
	(pc) =	sbr.rel @p1 .LBB2_15-.Ltmp9, $4  }
0xf1: {  	v41 =	vld [tilespmem:s26+$0xD630];
	v49 =	vadd.f32 v45, v49  }
0xf2: {  	v42 =	vld [tilespmem:s26+$0xD640];
	v32 =	vadd.f32 v50, v32  }
0xf3: {  	v40 =	vadd.f32 v51, v40;
	v43 =	vld [tilespmem:s26+$0xD650]  }
0xf4: {  	v37 =	vadd.f32 v52, v37;
	v45 =	vld [tilespmem:s26+$0xD660];
	s26 =	sshra.s32 s28, $0x2;
	s28 =	sadd.s32 $0x200, s28  }
0xf5: {  	s25 =	smov.u32 s26  }
.LBB2_17:
0xf6: {  	v51 =	vld [tilespmem:s25+$0xD600]  }
0xf7: {  	v52 =	vld [tilespmem:s25+$0xD610]  }
0xf8: {  	v53 =	vld [tilespmem:s25+$0xD620]  }
0xf9: {  	v54 =	vld [tilespmem:s25+$0xD630]  }
0xfa: {  	v39 =	vadd.f32 @p0 v39, v44;
	v61 =	vld [tilespmem:s25+$0xD640]  }
0xfb: {  	v41 =	vadd.f32 @p0 v41, v46;
	v62 =	vld [tilespmem:s25+$0xD650];
	v40 =	vadd.f32 v51, v40  }
0xfc: {  	v50 =	vld [tilespmem:s25+$0xD670];
	v42 =	vadd.f32 @p0 v42, v47;
	v38 =	vpsel p0, v39, v38;
	v37 =	vadd.f32 v52, v37  }
0xfd: {  	v63 =	vld [tilespmem:s25+$0xD660];
	v43 =	vadd.f32 @p0 v43, v48;
	v36 =	vpsel p0, v41, v36;
	v38 =	vadd.f32 v53, v38;
	[tilespmem:$0x11600] =	vst v40  }
0xfe: {  	v35 =	vpsel p0, v42, v35;
	v36 =	vadd.f32 v54, v36;
	[tilespmem:$0x11610] =	vst v37  }
0xff: {  	v34 =	vpsel p0, v43, v34;
	v35 =	vadd.f32 v61, v35;
	v40 =	vadd.f32 @p0 v45, v49;
	[tilespmem:$0x11620] =	vst v38  }
0x100: {  	v34 =	vadd.f32 v62, v34;
	[tilespmem:$0x11630] =	vst v36  }
0x101: {  	s24 =	sshll.u32 s24, $0xA;
	v32 =	vadd.f32 v50, v32;
	[tilespmem:$0x11640] =	vst v35;
	v33 =	vpsel p0, v40, v33  }
0x102: {  	s23 =	sor.u32 s23, s24;
	[tilespmem:$0x11650] =	vst v34;
	v33 =	vadd.f32 v63, v33  }
0x103: {  	s22 =	sadd.s32 $0x1, s22;
	s23 =	sshrl.u32 s23, $0x3;
	[tilespmem:$0x11670] =	vst v32  }
0x104: {  	s23 =	sadd.s32 s2, s23;
	p0 =	sne.s32 s22, $0x10;
	[tilespmem:$0x11660] =	vst v33  }
0x105: {  	[hbm4b:s23+s3] =	stream.linear.scatter [tilespmem:s20], [sflag:$0x2], $0x80, $0x38;
	[tilespmem:$0x11680] =	vst v63  }
.Ltmp10:
0x106: {  	_ = 	snop;
	(pc) =	sbr.rel @p0 .LBB2_2-.Ltmp10, $4  }
.Ltmp11:
0x107: {  	_ = 	snop;
	(pc) =	sbr.rel @!p0 .LBB2_18-.Ltmp11, $4  }
0x108: {  	_ =	swait.ge [sflag:s11], $0x80  }
0x109: {  	[sflag:s11] =	ssyncset.done $0x0  }
0x10a: {  	[sflag:s11] =	ssyncadd.s32 $0xFFFFFF80  }
0x10b: {  	_ = 	snop  }
.LBB2_7:
.Ltmp12:
0x10c: {  	(pc) =	sbr.rel .LBB2_11-.Ltmp12, $2  }
0x10d: {  	_ =	sdelay $0x2  }
0x10e: {  	s26 =	simm.s32 $0x0;
	v43 =	vmovc v33;
	v44 =	vmovc v34;
	v46 =	vmov v35;
	p2 =	por $0x0, $0x0;
	v47 =	vmov v39;
	v49 =	vmov v36  }
.LBB2_12:
.Ltmp13:
0x10f: {  	(pc) =	sbr.rel .LBB2_17-.Ltmp13, $2  }
0x110: {  	_ =	sdelay $0x2  }
0x111: {  	v44 =	vmovc v38;
	v46 =	vmovc v36;
	v47 =	vmov v35;
	v48 =	vmov v34;
	v49 =	vmov v33  }
.LBB2_9:
.Ltmp14:
0x112: {  	(pc) =	sbr.rel .LBB2_11-.Ltmp14, $2  }
0x113: {  	_ =	sdelay $0x2  }
0x114: {  	v43 =	vmovc v33;
	v44 =	vmovc v34;
	v46 =	vmov v35;
	v47 =	vmov v39;
	v49 =	vmov v36  }
.LBB2_14:
.Ltmp15:
0x115: {  	(pc) =	sbr.rel .LBB2_17-.Ltmp15, $2  }
0x116: {  	_ =	sdelay $0x2  }
0x117: {  	s25 =	simm.s32 $0x80;
	v44 =	vmovc v38;
	v46 =	vmovc v36;
	v47 =	vmov v35;
	v48 =	vmov v34;
	v49 =	vmov v33  }
.LBB2_19:
0x118: {  	_ =	sfence.sel $0x180000  }
0x119: {  	[bflag:$0x0] =	sbarrier.arrive $0xFFFF  }
0x11a: {  	p0 =	sne.s32 s4, $0x0;
	_ =	strace $0x90000047  }
0x11b: {  	s0 =	sadd.s32 @!p0 $0x100000, s0;
	[bflag:$0x2] =	sbarrier.arrive $0xFFFF  }
0x11c: {  	[sflag:s0] =	ssyncadd.tile.s32 @!p0 $0x1;
	_ =	shalt  }
.Lfunc_end2:
_tile_overlayer_lowered:
.L_overlay_start_2:
0x11d: {  	(tag) =	ssettag $0x2  }
0x11e: {  	s0 =	rddreg [dreg:$0x0];
	s2 =	stileid.u32  }
0x11f: {  	s1 =	rddreg [dreg:$0x1];
	p0 =	sne.s32 s2, $0x0  }
0x120: {  	s3 =	rddreg [dreg:$0x2];
	[bflag:$0x3] =	sbarrier.arrive $0xFFFF;
	s2 =	simm.s32 @!p0 $0x1C02  }
0x121: {  	[timem:s3], [sflag:s2] =	dma.local @!p0 [hbm:s0], s1  }
0x122: {  	s0 =	simm.s32 @!p0 $0x2  }
0x123: {  	_ =	swait.ge @!p0 [sflag:s0], s1  }
0x124: {  	s1 =	ssub.s32 @!p0 $0x0, s1;
	[sflag:s0] =	ssyncset.done @!p0 $0x0  }
0x125: {  	[sflag:s0] =	ssyncadd.s32 @!p0 s1  }
0x126: {  	[bflag:$0x3] =	sbarrier.arrive $0xFFFF  }
0x127: {  	_ =	shalt  }

</sc_bundles>
